<compile_context>
chip_gen: v7x
topology: tpu7x:2x2x1
jax: 0.10.2.dev20260603
libtpu: 0.0.44.dev20260713+nightly
codegen_flags: <defaults>
</compile_context>

<pallas_src>
import functools

import jax
import jax.numpy as jnp
from jax import lax
from jax.experimental import pallas as pl
from jax.experimental.pallas import tpu as pltpu
from jax.experimental.pallas import tpu_sc as plsc

Q = 1024
D = 64
N = 100000
KB = 4000
NB = N // KB


def _normalize(x, eps=1e-12):
    n = jnp.sqrt(jnp.sum(x * x, axis=-1, keepdims=True))
    return x / jnp.maximum(n, eps)


SQ = 256
KBP = 4096
T = KBP // 128


def _stats_body(q_ref, k_ref, vlo_ref, vhi_ref, idx_out, var_out, vpack_out,
                qn_s, max_s, gid_s, fst_s, ksum_s, gram_s):
    i = pl.program_id(0)

    @pl.when(i == 0)
    def _init():
        qn_s[...] = _normalize(q_ref[...])
        max_s[...] = jnp.full((Q, 128), -jnp.inf, jnp.float32)
        gid_s[...] = jnp.zeros((Q, 128), jnp.int32)
        fst_s[...] = jnp.full((Q, 128), -jnp.inf, jnp.float32)
        ksum_s[...] = jnp.zeros((1, D), jnp.float32)
        gram_s[...] = jnp.zeros((D, D), jnp.float32)

    vpack_out[...] = jnp.concatenate([vlo_ref[...], vhi_ref[...]], axis=1)

    kn = _normalize(k_ref[...])
    knp = jnp.concatenate(
        [kn, jnp.broadcast_to(kn[0:1, :], (KBP - KB, D))], axis=0)
    sim = lax.dot_general(qn_s[...], knp, (((1,), (1,)), ((), ())),
                          preferred_element_type=jnp.float32)

    for s in range(Q // SQ):
        rows = pl.ds(s * SQ, SQ)
        m = max_s[rows, :]
        g = gid_s[rows, :]
        f = fst_s[rows, :]
        for p in range(T // 2):
            st0 = sim[s * SQ:(s + 1) * SQ, (2 * p) * 128:(2 * p + 1) * 128]
            st1 = sim[s * SQ:(s + 1) * SQ, (2 * p + 1) * 128:(2 * p + 2) * 128]
            m2 = jnp.maximum(st0, st1)
            upd = m2 > m
            m = jnp.maximum(m2, m)
            g = jnp.where(upd, jnp.full_like(g, i * (T // 2) + p), g)
            f = jnp.where(upd, st0, f)
        max_s[rows, :] = m
        gid_s[rows, :] = g
        fst_s[rows, :] = f

    ksum_s[...] += jnp.sum(kn, axis=0, keepdims=True)
    gram_s[...] += lax.dot_general(kn, kn, (((0,), (0,)), ((), ())),
                                   preferred_element_type=jnp.float32)

    @pl.when(i == NB - 1)
    def _fin():
        m = max_s[...]
        g = gid_s[...]
        second = (fst_s[...] != m).astype(jnp.int32)
        lane = lax.broadcasted_iota(jnp.int32, (Q, 128), 1)
        col = ((g // (T // 2)) * KB + ((g % (T // 2)) * 2 + second) * 128
               + lane)
        gmax = jnp.max(m, axis=1, keepdims=True)
        idx_out[...] = jnp.min(
            jnp.where(m == gmax, col, jnp.int32(2**30)),
            axis=1, keepdims=True)
        qn = qn_s[...]
        s = lax.dot_general(qn, ksum_s[...], (((1,), (1,)), ((), ())),
                            preferred_element_type=jnp.float32)
        qg = lax.dot_general(qn, gram_s[...], (((1,), (0,)), ((), ())),
                             preferred_element_type=jnp.float32)
        ss = jnp.sum(qg * qn, axis=1, keepdims=True)
        var_rows = (ss - s * s / N) / (N - 1)
        var_out[...] = jnp.full((1, 1), jnp.mean(var_rows), jnp.float32)


def _topk_stats(query, keys, values, interpret=False):
    return pl.pallas_call(
        _stats_body,
        grid=(NB,),
        in_specs=[
            pl.BlockSpec((Q, D), lambda i: (0, 0)),
            pl.BlockSpec((KB, D), lambda i: (i, 0)),
            pl.BlockSpec((KB // 2, D), lambda i: (i, 0)),
            pl.BlockSpec((KB // 2, D), lambda i: (i + NB, 0)),
        ],
        out_specs=[
            pl.BlockSpec((Q, 1), lambda i: (0, 0)),
            pl.BlockSpec((1, 1), lambda i: (0, 0)),
            pl.BlockSpec((KB // 2, 2 * D), lambda i: (i, 0)),
        ],
        out_shape=[
            jax.ShapeDtypeStruct((Q, 1), jnp.int32),
            jax.ShapeDtypeStruct((1, 1), jnp.float32),
            jax.ShapeDtypeStruct((N // 2, 2 * D), jnp.float32),
        ],
        scratch_shapes=[
            pltpu.VMEM((Q, D), jnp.float32),
            pltpu.VMEM((Q, 128), jnp.float32),
            pltpu.VMEM((Q, 128), jnp.int32),
            pltpu.VMEM((Q, 128), jnp.float32),
            pltpu.VMEM((1, D), jnp.float32),
            pltpu.VMEM((D, D), jnp.float32),
        ],
        interpret=interpret,
    )(query, keys, values, values)


def _sc_gather_pairs(values2, idx):
    info = plsc.get_sparse_core_info()
    nw = info.num_cores * info.num_subcores
    b_per_w = Q // nw
    mesh = plsc.VectorSubcoreMesh(core_axis_name="c", subcore_axis_name="s")

    @functools.partial(
        pl.kernel, mesh=mesh,
        out_type=jax.ShapeDtypeStruct((Q, 2 * D), jnp.float32),
        scratch_types=[
            pltpu.VMEM((b_per_w,), jnp.int32),
            pltpu.VMEM((b_per_w,), jnp.int32),
            pltpu.VMEM((b_per_w, 2 * D), jnp.float32),
            pltpu.SemaphoreType.DMA,
        ],
    )
    def gather_k(table_hbm, idx_hbm, out_hbm, idx_v, pair_v, rows_v, sem):
        wid = lax.axis_index("s") * info.num_cores + lax.axis_index("c")
        base = wid * b_per_w
        pltpu.sync_copy(idx_hbm.at[pl.ds(base, b_per_w)], idx_v)
        for c in range(b_per_w // 16):
            sl = pl.ds(c * 16, 16)
            ix = idx_v[sl]
            pair_v[sl] = jnp.where(ix >= N // 2, ix - N // 2, ix)
        pltpu.async_copy(table_hbm.at[pair_v], rows_v, sem).wait()
        pltpu.sync_copy(rows_v, out_hbm.at[pl.ds(base, b_per_w)])

    return gather_k(values2, idx)


def _half_select_body(rows_ref, idx_ref, out_ref):
    odd = idx_ref[...] >= N // 2
    lo = rows_ref[:, :D]
    hi = rows_ref[:, D:]
    out_ref[...] = jnp.where(odd, hi, lo)


def _half_select(rows, idx):
    return pl.pallas_call(
        _half_select_body,
        out_shape=jax.ShapeDtypeStruct((Q, D), jnp.float32),
    )(rows, idx)


def kernel(query, keys, values):
    query = query.astype(jnp.float32)
    keys = keys.astype(jnp.float32)
    values = values.astype(jnp.float32)
    idx, var, vpack = _topk_stats(query, keys, values)
    rows = _sc_gather_pairs(vpack, idx.reshape(Q))
    retrieved = _half_select(rows, idx)
    return (retrieved, var.reshape(()))

# --- scband reference (transcript-rebuilt; emitter-appended) ---
"""Pipeline reference for scband-memory-retrieval-60550448939397 (READ-ONLY COPY).

The authoritative reference and input builder live on the scoring server;
editing this copy changes nothing except your own understanding.
"""

import jax, jax.numpy as jnp
import numpy as np


def _l2_normalize(x, eps=1e-12):
    # Mirrors torch.nn.functional.normalize(p=2, dim=-1)
    n = jnp.linalg.norm(x, ord=2, axis=-1, keepdims=True)
    return x / jnp.maximum(n, eps)


def setup_inputs(seed: int = 0) -> dict:
    key = jax.random.key(seed)
    k1, k2, k3 = jax.random.split(key, 3)
    query = jax.random.normal(k1, (1024, 64), dtype=jnp.float32)
    keys = jax.random.normal(k2, (100000, 64), dtype=jnp.float32)
    values = jax.random.normal(k3, (100000, 64), dtype=jnp.float32)
    return {"query": query, "keys": keys, "values": values}


def reference(query, keys, values):
    # MemoryRetrieval.retrieve(query, memory_bank) with
    # memory_bank.get_memory() -> (keys, values)
    query = query.astype(jnp.float32)
    keys = keys.astype(jnp.float32)
    values = values.astype(jnp.float32)
    query_norm = _l2_normalize(query)
    keys_norm = _l2_normalize(keys)
    similarity_scores = jnp.matmul(query_norm, keys_norm.T)
    # torch .var(dim=-1) is unbiased (ddof=1)
    attention_var = jnp.var(similarity_scores, axis=-1, ddof=1).mean()
    best_match_index = jnp.argmax(similarity_scores, axis=-1)
    # .squeeze(0) is a no-op for batch > 1
    retrieved = jnp.take(values, best_match_index, axis=0)
    return (retrieved, attention_var)

if __name__ == "__main__":
    import jax
    _d = setup_inputs()
    print(jax.jit(kernel)(*tuple(_d.values())))

</pallas_src>

<mosaic_0001>
#map = affine_map<(d0, d1) -> (0, 0)>
#map1 = affine_map<(d0, d1) -> (0)>
module attributes {stable_mosaic.version = 14 : i64} {
  func.func @gather_k(%arg0: i32, %arg1: i32, %arg2: memref<50000x128xf32, #tpu.memory_space<hbm>>, %arg3: memref<1024xi32, #tpu.memory_space<hbm>>, %arg4: memref<1024x128xf32, #tpu.memory_space<hbm>>, %arg5: memref<32xi32, #tpu.memory_space<vmem>>, %arg6: memref<32xi32, #tpu.memory_space<vmem>>, %arg7: memref<32x128xf32, #tpu.memory_space<vmem>>, %arg8: memref<!tpu.dma_semaphore, #tpu.memory_space<semaphore_mem>>) attributes {dimension_semantics = [#tpu.dimension_semantics<core_parallel>, #tpu.dimension_semantics<subcore_parallel>], iteration_bounds = array<i64: 2, 16>, scalar_prefetch = 0 : i64, scratch_operands = 4 : i64, tpu.core_type = #tpu.core_type<sc_vector_subcore>, window_params = [{transform_indices = #map}, {transform_indices = #map1}, {transform_indices = #map}]} {
    %mul3A = arith.constant 2 : i32
    %mul3A_0 = arith.muli %arg1, %mul3A : i32
    %add3A = arith.addi %mul3A_0, %arg0 : i32
    %mul3A_1 = arith.constant 32 : i32
    %mul3A_2 = arith.muli %add3A, %mul3A_1 : i32
    "tpu.region"() ({
      %run_scoped3A = tpu.sem_alloc : memref<!tpu.dma_semaphore, #tpu.memory_space<semaphore_mem>>
      %dma_start3A_30 = tpu.memref_slice %arg3[%mul3A_2] : memref<1024xi32, #tpu.memory_space<hbm>> -> memref<32xi32, #tpu.memory_space<hbm>>
      %dma_start3A_31 = tpu.memref_slice %arg3[%mul3A_2] : memref<1024xi32, #tpu.memory_space<hbm>> -> memref<32xi32, #tpu.memory_space<hbm>>
      tpu.enqueue_dma source(%dma_start3A_31 : memref<32xi32, #tpu.memory_space<hbm>>) target(%arg5 : memref<32xi32, #tpu.memory_space<vmem>>) target_semaphore(%run_scoped3A : memref<!tpu.dma_semaphore, #tpu.memory_space<semaphore_mem>>)
      %dma_wait3A_32 = tpu.memref_slice %arg3[%mul3A_2] : memref<1024xi32, #tpu.memory_space<hbm>> -> memref<32xi32, #tpu.memory_space<hbm>>
      %dma_wait3A_33 = tpu.memref_slice %arg3[%mul3A_2] : memref<1024xi32, #tpu.memory_space<hbm>> -> memref<32xi32, #tpu.memory_space<hbm>>
      tpu.wait_dma2 semaphore(%run_scoped3A : memref<!tpu.dma_semaphore, #tpu.memory_space<semaphore_mem>>) src(%dma_wait3A_33 : memref<32xi32, #tpu.memory_space<hbm>>) dst(%arg5 : memref<32xi32, #tpu.memory_space<vmem>>)
      tpu.yield
    }) : () -> ()
    %get3A = arith.constant 0 : index
    %get3A_3 = tpu.vector_load %arg5[%get3A] {strides = array<i32>} : memref<32xi32, #tpu.memory_space<vmem>>, vector<16xi32>,
    %get3A_4 = vector.shape_cast %get3A_3 : vector<16xi32> to vector<16xi32>
    %ge3A = arith.constant 50000 : i32
    %ge3A_5 = vector.broadcast %ge3A : i32 to vector<16xi32>
    %ge3A_6 = arith.cmpi sge, %get3A_4, %ge3A_5 : vector<16xi32>
    %sub3A = arith.constant 50000 : i32
    %sub3A_7 = vector.broadcast %sub3A : i32 to vector<16xi32>
    %sub3A_8 = arith.subi %get3A_4, %sub3A_7 : vector<16xi32>
    %select_n3A = arith.select %ge3A_6, %sub3A_8, %get3A_4 : vector<16xi1>, vector<16xi32>
    %swap3A = arith.constant 0 : index
    %swap3A_9 = tpu.vector_load %arg6[%swap3A] {strides = array<i32>} : memref<32xi32, #tpu.memory_space<vmem>>, vector<16xi32>,
    %swap3A_10 = vector.shape_cast %swap3A_9 : vector<16xi32> to vector<16xi32>
    %swap3A_11 = vector.shape_cast %select_n3A : vector<16xi32> to vector<16xi32>
    tpu.vector_store %arg6[%swap3A], %swap3A_11 {strides = array<i32>} : memref<32xi32, #tpu.memory_space<vmem>>, vector<16xi32>,
    %get3A_12 = arith.constant 16 : index
    %get3A_13 = tpu.vector_load %arg5[%get3A_12] {strides = array<i32>} : memref<32xi32, #tpu.memory_space<vmem>>, vector<16xi32>,
    %get3A_14 = vector.shape_cast %get3A_13 : vector<16xi32> to vector<16xi32>
    %ge3A_15 = arith.constant 50000 : i32
    %ge3A_16 = vector.broadcast %ge3A_15 : i32 to vector<16xi32>
    %ge3A_17 = arith.cmpi sge, %get3A_14, %ge3A_16 : vector<16xi32>
    %sub3A_18 = arith.constant 50000 : i32
    %sub3A_19 = vector.broadcast %sub3A_18 : i32 to vector<16xi32>
    %sub3A_20 = arith.subi %get3A_14, %sub3A_19 : vector<16xi32>
    %select_n3A_21 = arith.select %ge3A_17, %sub3A_20, %get3A_14 : vector<16xi1>, vector<16xi32>
    %swap3A_22 = arith.constant 16 : index
    %swap3A_23 = tpu.vector_load %arg6[%swap3A_22] {strides = array<i32>} : memref<32xi32, #tpu.memory_space<vmem>>, vector<16xi32>,
    %swap3A_24 = vector.shape_cast %swap3A_23 : vector<16xi32> to vector<16xi32>
    %swap3A_25 = vector.shape_cast %select_n3A_21 : vector<16xi32> to vector<16xi32>
    tpu.vector_store %arg6[%swap3A_22], %swap3A_25 {strides = array<i32>} : memref<32xi32, #tpu.memory_space<vmem>>, vector<16xi32>,
    %dma_start3A = arith.constant 0 : i32
    %dma_start3A_26 = arith.constant 0 : i32
    %dma_start3A_27 = tpu.memref_slice %arg2[%dma_start3A, %dma_start3A_26] : memref<50000x128xf32, #tpu.memory_space<hbm>> -> memref<50000x128xf32, #tpu.memory_space<hbm>>
    tpu.enqueue_indirect_dma source(%dma_start3A_27 : memref<50000x128xf32, #tpu.memory_space<hbm>>) target(%arg7 : memref<32x128xf32, #tpu.memory_space<vmem>>) offsets(%arg6 : memref<32xi32, #tpu.memory_space<vmem>>) semaphore(%arg8 : memref<!tpu.dma_semaphore, #tpu.memory_space<semaphore_mem>>)
    %dma_wait3A = arith.constant 0 : i32
    %dma_wait3A_28 = arith.constant 0 : i32
    %dma_wait3A_29 = tpu.memref_slice %arg2[%dma_wait3A, %dma_wait3A_28] : memref<50000x128xf32, #tpu.memory_space<hbm>> -> memref<50000x128xf32, #tpu.memory_space<hbm>>
    tpu.wait_indirect_dma semaphore(%arg8 : memref<!tpu.dma_semaphore, #tpu.memory_space<semaphore_mem>>) src(%dma_wait3A_29 : memref<50000x128xf32, #tpu.memory_space<hbm>>) dst(%arg7 : memref<32x128xf32, #tpu.memory_space<vmem>>)
    "tpu.region"() ({
      %run_scoped3A = tpu.sem_alloc : memref<!tpu.dma_semaphore, #tpu.memory_space<semaphore_mem>>
      %dma_start3A_30 = arith.constant 0 : i32
      %dma_start3A_31 = tpu.memref_slice %arg4[%mul3A_2, %dma_start3A_30] : memref<1024x128xf32, #tpu.memory_space<hbm>> -> memref<32x128xf32, #tpu.memory_space<hbm>>
      %dma_start3A_32 = arith.constant 0 : i32
      %dma_start3A_33 = tpu.memref_slice %arg4[%mul3A_2, %dma_start3A_32] : memref<1024x128xf32, #tpu.memory_space<hbm>> -> memref<32x128xf32, #tpu.memory_space<hbm>>
      tpu.enqueue_dma source(%arg7 : memref<32x128xf32, #tpu.memory_space<vmem>>) target(%dma_start3A_33 : memref<32x128xf32, #tpu.memory_space<hbm>>) target_semaphore(%run_scoped3A : memref<!tpu.dma_semaphore, #tpu.memory_space<semaphore_mem>>)
      %dma_wait3A_34 = arith.constant 0 : i32
      %dma_wait3A_35 = tpu.memref_slice %arg4[%mul3A_2, %dma_wait3A_34] : memref<1024x128xf32, #tpu.memory_space<hbm>> -> memref<32x128xf32, #tpu.memory_space<hbm>>
      %dma_wait3A_36 = arith.constant 0 : i32
      %dma_wait3A_37 = tpu.memref_slice %arg4[%mul3A_2, %dma_wait3A_36] : memref<1024x128xf32, #tpu.memory_space<hbm>> -> memref<32x128xf32, #tpu.memory_space<hbm>>
      tpu.wait_dma2 semaphore(%run_scoped3A : memref<!tpu.dma_semaphore, #tpu.memory_space<semaphore_mem>>) src(%arg7 : memref<32x128xf32, #tpu.memory_space<vmem>>) dst(%dma_wait3A_37 : memref<32x128xf32, #tpu.memory_space<hbm>>)
      tpu.yield
    }) : () -> ()
    return
  }
}

module attributes {stable_mosaic.version = 14 : i64} {
  func.func @_stats_body(%arg0: i32, %arg1: memref<1024x64xf32, #tpu.memory_space<vmem>>, %arg2: memref<4000x64xf32, #tpu.memory_space<vmem>>, %arg3: memref<2000x64xf32, #tpu.memory_space<vmem>>, %arg4: memref<2000x64xf32, #tpu.memory_space<vmem>>, %arg5: memref<1024x1xi32, #tpu.memory_space<vmem>>, %arg6: memref<1x1xf32, #tpu.memory_space<vmem>>, %arg7: memref<2000x128xf32, #tpu.memory_space<vmem>>, %arg8: memref<1024x64xf32, #tpu.memory_space<vmem>>, %arg9: memref<1024x128xf32, #tpu.memory_space<vmem>>, %arg10: memref<1024x128xi32, #tpu.memory_space<vmem>>, %arg11: memref<1024x128xf32, #tpu.memory_space<vmem>>, %arg12: memref<1x64xf32, #tpu.memory_space<vmem>>, %arg13: memref<64x64xf32, #tpu.memory_space<vmem>>) attributes {dimension_semantics = [#tpu.dimension_semantics<arbitrary>], iteration_bounds = array<i64: 25>, scalar_prefetch = 0 : i64, scratch_operands = 6 : i64, tpu.core_type = #tpu.core_type<tc>, window_params = [{pipeline_mode = #tpu.pipeline_mode<synchronous>, transform_indices = @transform_0, window_bounds = array<i64: 1024, 64>}, {transform_indices = @transform_1, window_bounds = array<i64: 4000, 64>}, {transform_indices = @transform_2, window_bounds = array<i64: 2000, 64>}, {transform_indices = @transform_3, window_bounds = array<i64: 2000, 64>}, {pipeline_mode = #tpu.pipeline_mode<synchronous>, transform_indices = @transform_4, window_bounds = array<i64: 1024, 1>}, {pipeline_mode = #tpu.pipeline_mode<synchronous>, transform_indices = @transform_5, window_bounds = array<i64: 1, 1>}, {transform_indices = @transform_6, window_bounds = array<i64: 2000, 128>}]} {
    %eq3A = arith.constant 0 : i32
    %eq3A_0 = arith.cmpi eq, %arg0, %eq3A : i32
    %convert_element_type3A = arith.extui %eq3A_0 : i1 to i32
    %cond3A = arith.constant 0 : i32
    %cond3A_1 = arith.cmpi ne, %convert_element_type3A, %cond3A : i32
    scf.if %cond3A_1 {
      %get3A_884 = arith.constant 0 : index
      %get3A_885 = arith.constant 0 : index
      %get3A_886 = vector.load %arg1[%get3A_884, %get3A_885] : memref<1024x64xf32, #tpu.memory_space<vmem>>, vector<1024x64xf32>
      %mul3A_887 = arith.mulf %get3A_886, %get3A_886 : vector<1024x64xf32>
      %reduce_sum3A_888 = arith.constant dense<0.000000e+00> : vector<1024xf32>
      %reduce_sum3A_889 = vector.multi_reduction <add>, %mul3A_887, %reduce_sum3A_888 [1] : vector<1024x64xf32> to vector<1024xf32>
      %broadcast_in_dim3A_890 = vector.shape_cast %reduce_sum3A_889 : vector<1024xf32> to vector<1024x1xf32>
      %sqrt3A_891 = math.sqrt %broadcast_in_dim3A_890 : vector<1024x1xf32>
      %max3A_892 = arith.constant 9.99999996E-13 : f32
      %max3A_893 = vector.broadcast %max3A_892 : f32 to vector<1024x1xf32>
      %max3A_894 = arith.maximumf %sqrt3A_891, %max3A_893 : vector<1024x1xf32>
      %div3A_895 = vector.broadcast %max3A_894 : vector<1024x1xf32> to vector<1024x64xf32>
      %div3A_896 = arith.divf %get3A_886, %div3A_895 : vector<1024x64xf32>
      %swap3A_897 = arith.constant 0 : index
      %swap3A_898 = arith.constant 0 : index
      %swap3A_899 = vector.load %arg8[%swap3A_897, %swap3A_898] : memref<1024x64xf32, #tpu.memory_space<vmem>>, vector<1024x64xf32>
      tpu.vector_store %arg8[%swap3A_897, %swap3A_898], %div3A_896 {strides = array<i32>} : memref<1024x64xf32, #tpu.memory_space<vmem>>, vector<1024x64xf32>,
      %broadcast_in_dim3A_900 = arith.constant 0xFF800000 : f32
      %broadcast_in_dim3A_901 = vector.broadcast %broadcast_in_dim3A_900 : f32 to vector<1024x128xf32>
      %swap3A_902 = arith.constant 0 : index
      %swap3A_903 = arith.constant 0 : index
      %swap3A_904 = vector.load %arg9[%swap3A_902, %swap3A_903] : memref<1024x128xf32, #tpu.memory_space<vmem>>, vector<1024x128xf32>
      tpu.vector_store %arg9[%swap3A_902, %swap3A_903], %broadcast_in_dim3A_901 {strides = array<i32>} : memref<1024x128xf32, #tpu.memory_space<vmem>>, vector<1024x128xf32>,
      %broadcast_in_dim3A_905 = arith.constant 0 : i32
      %broadcast_in_dim3A_906 = vector.broadcast %broadcast_in_dim3A_905 : i32 to vector<1024x128xi32>
      %swap3A_907 = arith.constant 0 : index
      %swap3A_908 = arith.constant 0 : index
      %swap3A_909 = vector.load %arg10[%swap3A_907, %swap3A_908] : memref<1024x128xi32, #tpu.memory_space<vmem>>, vector<1024x128xi32>
      tpu.vector_store %arg10[%swap3A_907, %swap3A_908], %broadcast_in_dim3A_906 {strides = array<i32>} : memref<1024x128xi32, #tpu.memory_space<vmem>>, vector<1024x128xi32>,
      %broadcast_in_dim3A_910 = arith.constant 0xFF800000 : f32
      %broadcast_in_dim3A_911 = vector.broadcast %broadcast_in_dim3A_910 : f32 to vector<1024x128xf32>
      %swap3A_912 = arith.constant 0 : index
      %swap3A_913 = arith.constant 0 : index
      %swap3A_914 = vector.load %arg11[%swap3A_912, %swap3A_913] : memref<1024x128xf32, #tpu.memory_space<vmem>>, vector<1024x128xf32>
      tpu.vector_store %arg11[%swap3A_912, %swap3A_913], %broadcast_in_dim3A_911 {strides = array<i32>} : memref<1024x128xf32, #tpu.memory_space<vmem>>, vector<1024x128xf32>,
      %broadcast_in_dim3A_915 = arith.constant 0.000000e+00 : f32
      %broadcast_in_dim3A_916 = vector.broadcast %broadcast_in_dim3A_915 : f32 to vector<1x64xf32>
      %swap3A_917 = arith.constant 0 : index
      %swap3A_918 = arith.constant 0 : index
      %swap3A_919 = vector.load %arg12[%swap3A_917, %swap3A_918] : memref<1x64xf32, #tpu.memory_space<vmem>>, vector<1x64xf32>
      tpu.vector_store %arg12[%swap3A_917, %swap3A_918], %broadcast_in_dim3A_916 {strides = array<i32>} : memref<1x64xf32, #tpu.memory_space<vmem>>, vector<1x64xf32>,
      %broadcast_in_dim3A_920 = arith.constant 0.000000e+00 : f32
      %broadcast_in_dim3A_921 = vector.broadcast %broadcast_in_dim3A_920 : f32 to vector<64x64xf32>
      %swap3A_922 = arith.constant 0 : index
      %swap3A_923 = arith.constant 0 : index
      %swap3A_924 = vector.load %arg13[%swap3A_922, %swap3A_923] : memref<64x64xf32, #tpu.memory_space<vmem>>, vector<64x64xf32>
      tpu.vector_store %arg13[%swap3A_922, %swap3A_923], %broadcast_in_dim3A_921 {strides = array<i32>} : memref<64x64xf32, #tpu.memory_space<vmem>>, vector<64x64xf32>,
    } else {
    }
    %get3A = arith.constant 0 : index
    %get3A_2 = arith.constant 0 : index
    %get3A_3 = vector.load %arg3[%get3A, %get3A_2] : memref<2000x64xf32, #tpu.memory_space<vmem>>, vector<2000x64xf32>
    %get3A_4 = arith.constant 0 : index
    %get3A_5 = arith.constant 0 : index
    %get3A_6 = vector.load %arg4[%get3A_4, %get3A_5] : memref<2000x64xf32, #tpu.memory_space<vmem>>, vector<2000x64xf32>
    %concatenate3A = tpu.concatenate %get3A_3, %get3A_6 in 1 : vector<2000x64xf32>, vector<2000x64xf32> -> vector<2000x128xf32>
    %swap3A = arith.constant 0 : index
    %swap3A_7 = arith.constant 0 : index
    %swap3A_8 = vector.load %arg7[%swap3A, %swap3A_7] : memref<2000x128xf32, #tpu.memory_space<vmem>>, vector<2000x128xf32>
    tpu.vector_store %arg7[%swap3A, %swap3A_7], %concatenate3A {strides = array<i32>} : memref<2000x128xf32, #tpu.memory_space<vmem>>, vector<2000x128xf32>,
    %get3A_9 = arith.constant 0 : index
    %get3A_10 = arith.constant 0 : index
    %get3A_11 = vector.load %arg2[%get3A_9, %get3A_10] : memref<4000x64xf32, #tpu.memory_space<vmem>>, vector<4000x64xf32>
    %mul3A = arith.mulf %get3A_11, %get3A_11 : vector<4000x64xf32>
    %reduce_sum3A = arith.constant dense<0.000000e+00> : vector<4000xf32>
    %reduce_sum3A_12 = vector.multi_reduction <add>, %mul3A, %reduce_sum3A [1] : vector<4000x64xf32> to vector<4000xf32>
    %broadcast_in_dim3A = vector.shape_cast %reduce_sum3A_12 : vector<4000xf32> to vector<4000x1xf32>
    %sqrt3A = math.sqrt %broadcast_in_dim3A : vector<4000x1xf32>
    %max3A = arith.constant 9.99999996E-13 : f32
    %max3A_13 = vector.broadcast %max3A : f32 to vector<4000x1xf32>
    %max3A_14 = arith.maximumf %sqrt3A, %max3A_13 : vector<4000x1xf32>
    %div3A = vector.broadcast %max3A_14 : vector<4000x1xf32> to vector<4000x64xf32>
    %div3A_15 = arith.divf %get3A_11, %div3A : vector<4000x64xf32>
    %slice3A = vector.extract_strided_slice %div3A_15 {offsets = [0, 0], sizes = [1, 64], strides = [1, 1]} : vector<4000x64xf32> to vector<1x64xf32>
    %broadcast_in_dim3A_16 = vector.shape_cast %slice3A : vector<1x64xf32> to vector<1x64xf32>
    %broadcast_in_dim3A_17 = vector.broadcast %broadcast_in_dim3A_16 : vector<1x64xf32> to vector<96x64xf32>
    %concatenate3A_18 = tpu.concatenate %div3A_15, %broadcast_in_dim3A_17 in 0 : vector<4000x64xf32>, vector<96x64xf32> -> vector<4096x64xf32>
    %get3A_19 = arith.constant 0 : index
    %get3A_20 = arith.constant 0 : index
    %get3A_21 = vector.load %arg8[%get3A_19, %get3A_20] : memref<1024x64xf32, #tpu.memory_space<vmem>>, vector<1024x64xf32>
    %dot_general3A = arith.constant dense<0.000000e+00> : vector<1024x4096xf32>
    %dot_general3A_22 = tpu.matmul %get3A_21, %concatenate3A_18, %dot_general3A {dimension_numbers = #tpu.dot_dimension_numbers<[1], [1], [0], [0], [0, 0, 1, 0], [], []>, transpose_lhs_hint = false} : vector<1024x64xf32>, vector<4096x64xf32>, vector<1024x4096xf32> -> vector<1024x4096xf32>
    %get3A_23 = arith.constant 0 : index
    %get3A_24 = arith.constant 0 : index
    %get3A_25 = vector.load %arg9[%get3A_23, %get3A_24] : memref<1024x128xf32, #tpu.memory_space<vmem>>, vector<256x128xf32>
    %get3A_26 = arith.constant 0 : index
    %get3A_27 = arith.constant 0 : index
    %get3A_28 = vector.load %arg10[%get3A_26, %get3A_27] : memref<1024x128xi32, #tpu.memory_space<vmem>>, vector<256x128xi32>
    %get3A_29 = arith.constant 0 : index
    %get3A_30 = arith.constant 0 : index
    %get3A_31 = vector.load %arg11[%get3A_29, %get3A_30] : memref<1024x128xf32, #tpu.memory_space<vmem>>, vector<256x128xf32>
    %slice3A_32 = vector.extract_strided_slice %dot_general3A_22 {offsets = [0, 0], sizes = [256, 128], strides = [1, 1]} : vector<1024x4096xf32> to vector<256x128xf32>
    %slice3A_33 = vector.extract_strided_slice %dot_general3A_22 {offsets = [0, 128], sizes = [256, 128], strides = [1, 1]} : vector<1024x4096xf32> to vector<256x128xf32>
    %max3A_34 = arith.maximumf %slice3A_32, %slice3A_33 : vector<256x128xf32>
    %gt3A = arith.cmpf ogt, %max3A_34, %get3A_25 : vector<256x128xf32>
    %max3A_35 = arith.maximumf %max3A_34, %get3A_25 : vector<256x128xf32>
    %mul3A_36 = arith.constant 16 : i32
    %mul3A_37 = arith.muli %arg0, %mul3A_36 : i32
    %add3A = arith.constant 0 : i32
    %add3A_38 = arith.addi %mul3A_37, %add3A : i32
    %broadcast_in_dim3A_39 = vector.broadcast %add3A_38 : i32 to vector<256x128xi32>
    %select_n3A = arith.select %gt3A, %broadcast_in_dim3A_39, %get3A_28 : vector<256x128xi1>, vector<256x128xi32>
    %select_n3A_40 = arith.select %gt3A, %slice3A_32, %get3A_31 : vector<256x128xi1>, vector<256x128xf32>
    %slice3A_41 = vector.extract_strided_slice %dot_general3A_22 {offsets = [0, 256], sizes = [256, 128], strides = [1, 1]} : vector<1024x4096xf32> to vector<256x128xf32>
    %slice3A_42 = vector.extract_strided_slice %dot_general3A_22 {offsets = [0, 384], sizes = [256, 128], strides = [1, 1]} : vector<1024x4096xf32> to vector<256x128xf32>
    %max3A_43 = arith.maximumf %slice3A_41, %slice3A_42 : vector<256x128xf32>
    %gt3A_44 = arith.cmpf ogt, %max3A_43, %max3A_35 : vector<256x128xf32>
    %max3A_45 = arith.maximumf %max3A_43, %max3A_35 : vector<256x128xf32>
    %mul3A_46 = arith.constant 16 : i32
    %mul3A_47 = arith.muli %arg0, %mul3A_46 : i32
    %add3A_48 = arith.constant 1 : i32
    %add3A_49 = arith.addi %mul3A_47, %add3A_48 : i32
    %broadcast_in_dim3A_50 = vector.broadcast %add3A_49 : i32 to vector<256x128xi32>
    %select_n3A_51 = arith.select %gt3A_44, %broadcast_in_dim3A_50, %select_n3A : vector<256x128xi1>, vector<256x128xi32>
    %select_n3A_52 = arith.select %gt3A_44, %slice3A_41, %select_n3A_40 : vector<256x128xi1>, vector<256x128xf32>
    %slice3A_53 = vector.extract_strided_slice %dot_general3A_22 {offsets = [0, 512], sizes = [256, 128], strides = [1, 1]} : vector<1024x4096xf32> to vector<256x128xf32>
    %slice3A_54 = vector.extract_strided_slice %dot_general3A_22 {offsets = [0, 640], sizes = [256, 128], strides = [1, 1]} : vector<1024x4096xf32> to vector<256x128xf32>
    %max3A_55 = arith.maximumf %slice3A_53, %slice3A_54 : vector<256x128xf32>
    %gt3A_56 = arith.cmpf ogt, %max3A_55, %max3A_45 : vector<256x128xf32>
    %max3A_57 = arith.maximumf %max3A_55, %max3A_45 : vector<256x128xf32>
    %mul3A_58 = arith.constant 16 : i32
    %mul3A_59 = arith.muli %arg0, %mul3A_58 : i32
    %add3A_60 = arith.constant 2 : i32
    %add3A_61 = arith.addi %mul3A_59, %add3A_60 : i32
    %broadcast_in_dim3A_62 = vector.broadcast %add3A_61 : i32 to vector<256x128xi32>
    %select_n3A_63 = arith.select %gt3A_56, %broadcast_in_dim3A_62, %select_n3A_51 : vector<256x128xi1>, vector<256x128xi32>
    %select_n3A_64 = arith.select %gt3A_56, %slice3A_53, %select_n3A_52 : vector<256x128xi1>, vector<256x128xf32>
    %slice3A_65 = vector.extract_strided_slice %dot_general3A_22 {offsets = [0, 768], sizes = [256, 128], strides = [1, 1]} : vector<1024x4096xf32> to vector<256x128xf32>
    %slice3A_66 = vector.extract_strided_slice %dot_general3A_22 {offsets = [0, 896], sizes = [256, 128], strides = [1, 1]} : vector<1024x4096xf32> to vector<256x128xf32>
    %max3A_67 = arith.maximumf %slice3A_65, %slice3A_66 : vector<256x128xf32>
    %gt3A_68 = arith.cmpf ogt, %max3A_67, %max3A_57 : vector<256x128xf32>
    %max3A_69 = arith.maximumf %max3A_67, %max3A_57 : vector<256x128xf32>
    %mul3A_70 = arith.constant 16 : i32
    %mul3A_71 = arith.muli %arg0, %mul3A_70 : i32
    %add3A_72 = arith.constant 3 : i32
    %add3A_73 = arith.addi %mul3A_71, %add3A_72 : i32
    %broadcast_in_dim3A_74 = vector.broadcast %add3A_73 : i32 to vector<256x128xi32>
    %select_n3A_75 = arith.select %gt3A_68, %broadcast_in_dim3A_74, %select_n3A_63 : vector<256x128xi1>, vector<256x128xi32>
    %select_n3A_76 = arith.select %gt3A_68, %slice3A_65, %select_n3A_64 : vector<256x128xi1>, vector<256x128xf32>
    %slice3A_77 = vector.extract_strided_slice %dot_general3A_22 {offsets = [0, 1024], sizes = [256, 128], strides = [1, 1]} : vector<1024x4096xf32> to vector<256x128xf32>
    %slice3A_78 = vector.extract_strided_slice %dot_general3A_22 {offsets = [0, 1152], sizes = [256, 128], strides = [1, 1]} : vector<1024x4096xf32> to vector<256x128xf32>
    %max3A_79 = arith.maximumf %slice3A_77, %slice3A_78 : vector<256x128xf32>
    %gt3A_80 = arith.cmpf ogt, %max3A_79, %max3A_69 : vector<256x128xf32>
    %max3A_81 = arith.maximumf %max3A_79, %max3A_69 : vector<256x128xf32>
    %mul3A_82 = arith.constant 16 : i32
    %mul3A_83 = arith.muli %arg0, %mul3A_82 : i32
    %add3A_84 = arith.constant 4 : i32
    %add3A_85 = arith.addi %mul3A_83, %add3A_84 : i32
    %broadcast_in_dim3A_86 = vector.broadcast %add3A_85 : i32 to vector<256x128xi32>
    %select_n3A_87 = arith.select %gt3A_80, %broadcast_in_dim3A_86, %select_n3A_75 : vector<256x128xi1>, vector<256x128xi32>
    %select_n3A_88 = arith.select %gt3A_80, %slice3A_77, %select_n3A_76 : vector<256x128xi1>, vector<256x128xf32>
    %slice3A_89 = vector.extract_strided_slice %dot_general3A_22 {offsets = [0, 1280], sizes = [256, 128], strides = [1, 1]} : vector<1024x4096xf32> to vector<256x128xf32>
    %slice3A_90 = vector.extract_strided_slice %dot_general3A_22 {offsets = [0, 1408], sizes = [256, 128], strides = [1, 1]} : vector<1024x4096xf32> to vector<256x128xf32>
    %max3A_91 = arith.maximumf %slice3A_89, %slice3A_90 : vector<256x128xf32>
    %gt3A_92 = arith.cmpf ogt, %max3A_91, %max3A_81 : vector<256x128xf32>
    %max3A_93 = arith.maximumf %max3A_91, %max3A_81 : vector<256x128xf32>
    %mul3A_94 = arith.constant 16 : i32
    %mul3A_95 = arith.muli %arg0, %mul3A_94 : i32
    %add3A_96 = arith.constant 5 : i32
    %add3A_97 = arith.addi %mul3A_95, %add3A_96 : i32
    %broadcast_in_dim3A_98 = vector.broadcast %add3A_97 : i32 to vector<256x128xi32>
    %select_n3A_99 = arith.select %gt3A_92, %broadcast_in_dim3A_98, %select_n3A_87 : vector<256x128xi1>, vector<256x128xi32>
    %select_n3A_100 = arith.select %gt3A_92, %slice3A_89, %select_n3A_88 : vector<256x128xi1>, vector<256x128xf32>
    %slice3A_101 = vector.extract_strided_slice %dot_general3A_22 {offsets = [0, 1536], sizes = [256, 128], strides = [1, 1]} : vector<1024x4096xf32> to vector<256x128xf32>
    %slice3A_102 = vector.extract_strided_slice %dot_general3A_22 {offsets = [0, 1664], sizes = [256, 128], strides = [1, 1]} : vector<1024x4096xf32> to vector<256x128xf32>
    %max3A_103 = arith.maximumf %slice3A_101, %slice3A_102 : vector<256x128xf32>
    %gt3A_104 = arith.cmpf ogt, %max3A_103, %max3A_93 : vector<256x128xf32>
    %max3A_105 = arith.maximumf %max3A_103, %max3A_93 : vector<256x128xf32>
    %mul3A_106 = arith.constant 16 : i32
    %mul3A_107 = arith.muli %arg0, %mul3A_106 : i32
    %add3A_108 = arith.constant 6 : i32
    %add3A_109 = arith.addi %mul3A_107, %add3A_108 : i32
    %broadcast_in_dim3A_110 = vector.broadcast %add3A_109 : i32 to vector<256x128xi32>
    %select_n3A_111 = arith.select %gt3A_104, %broadcast_in_dim3A_110, %select_n3A_99 : vector<256x128xi1>, vector<256x128xi32>
    %select_n3A_112 = arith.select %gt3A_104, %slice3A_101, %select_n3A_100 : vector<256x128xi1>, vector<256x128xf32>
    %slice3A_113 = vector.extract_strided_slice %dot_general3A_22 {offsets = [0, 1792], sizes = [256, 128], strides = [1, 1]} : vector<1024x4096xf32> to vector<256x128xf32>
    %slice3A_114 = vector.extract_strided_slice %dot_general3A_22 {offsets = [0, 1920], sizes = [256, 128], strides = [1, 1]} : vector<1024x4096xf32> to vector<256x128xf32>
    %max3A_115 = arith.maximumf %slice3A_113, %slice3A_114 : vector<256x128xf32>
    %gt3A_116 = arith.cmpf ogt, %max3A_115, %max3A_105 : vector<256x128xf32>
    %max3A_117 = arith.maximumf %max3A_115, %max3A_105 : vector<256x128xf32>
    %mul3A_118 = arith.constant 16 : i32
    %mul3A_119 = arith.muli %arg0, %mul3A_118 : i32
    %add3A_120 = arith.constant 7 : i32
    %add3A_121 = arith.addi %mul3A_119, %add3A_120 : i32
    %broadcast_in_dim3A_122 = vector.broadcast %add3A_121 : i32 to vector<256x128xi32>
    %select_n3A_123 = arith.select %gt3A_116, %broadcast_in_dim3A_122, %select_n3A_111 : vector<256x128xi1>, vector<256x128xi32>
    %select_n3A_124 = arith.select %gt3A_116, %slice3A_113, %select_n3A_112 : vector<256x128xi1>, vector<256x128xf32>
    %slice3A_125 = vector.extract_strided_slice %dot_general3A_22 {offsets = [0, 2048], sizes = [256, 128], strides = [1, 1]} : vector<1024x4096xf32> to vector<256x128xf32>
    %slice3A_126 = vector.extract_strided_slice %dot_general3A_22 {offsets = [0, 2176], sizes = [256, 128], strides = [1, 1]} : vector<1024x4096xf32> to vector<256x128xf32>
    %max3A_127 = arith.maximumf %slice3A_125, %slice3A_126 : vector<256x128xf32>
    %gt3A_128 = arith.cmpf ogt, %max3A_127, %max3A_117 : vector<256x128xf32>
    %max3A_129 = arith.maximumf %max3A_127, %max3A_117 : vector<256x128xf32>
    %mul3A_130 = arith.constant 16 : i32
    %mul3A_131 = arith.muli %arg0, %mul3A_130 : i32
    %add3A_132 = arith.constant 8 : i32
    %add3A_133 = arith.addi %mul3A_131, %add3A_132 : i32
    %broadcast_in_dim3A_134 = vector.broadcast %add3A_133 : i32 to vector<256x128xi32>
    %select_n3A_135 = arith.select %gt3A_128, %broadcast_in_dim3A_134, %select_n3A_123 : vector<256x128xi1>, vector<256x128xi32>
    %select_n3A_136 = arith.select %gt3A_128, %slice3A_125, %select_n3A_124 : vector<256x128xi1>, vector<256x128xf32>
    %slice3A_137 = vector.extract_strided_slice %dot_general3A_22 {offsets = [0, 2304], sizes = [256, 128], strides = [1, 1]} : vector<1024x4096xf32> to vector<256x128xf32>
    %slice3A_138 = vector.extract_strided_slice %dot_general3A_22 {offsets = [0, 2432], sizes = [256, 128], strides = [1, 1]} : vector<1024x4096xf32> to vector<256x128xf32>
    %max3A_139 = arith.maximumf %slice3A_137, %slice3A_138 : vector<256x128xf32>
    %gt3A_140 = arith.cmpf ogt, %max3A_139, %max3A_129 : vector<256x128xf32>
    %max3A_141 = arith.maximumf %max3A_139, %max3A_129 : vector<256x128xf32>
    %mul3A_142 = arith.constant 16 : i32
    %mul3A_143 = arith.muli %arg0, %mul3A_142 : i32
    %add3A_144 = arith.constant 9 : i32
    %add3A_145 = arith.addi %mul3A_143, %add3A_144 : i32
    %broadcast_in_dim3A_146 = vector.broadcast %add3A_145 : i32 to vector<256x128xi32>
    %select_n3A_147 = arith.select %gt3A_140, %broadcast_in_dim3A_146, %select_n3A_135 : vector<256x128xi1>, vector<256x128xi32>
    %select_n3A_148 = arith.select %gt3A_140, %slice3A_137, %select_n3A_136 : vector<256x128xi1>, vector<256x128xf32>
    %slice3A_149 = vector.extract_strided_slice %dot_general3A_22 {offsets = [0, 2560], sizes = [256, 128], strides = [1, 1]} : vector<1024x4096xf32> to vector<256x128xf32>
    %slice3A_150 = vector.extract_strided_slice %dot_general3A_22 {offsets = [0, 2688], sizes = [256, 128], strides = [1, 1]} : vector<1024x4096xf32> to vector<256x128xf32>
    %max3A_151 = arith.maximumf %slice3A_149, %slice3A_150 : vector<256x128xf32>
    %gt3A_152 = arith.cmpf ogt, %max3A_151, %max3A_141 : vector<256x128xf32>
    %max3A_153 = arith.maximumf %max3A_151, %max3A_141 : vector<256x128xf32>
    %mul3A_154 = arith.constant 16 : i32
    %mul3A_155 = arith.muli %arg0, %mul3A_154 : i32
    %add3A_156 = arith.constant 10 : i32
    %add3A_157 = arith.addi %mul3A_155, %add3A_156 : i32
    %broadcast_in_dim3A_158 = vector.broadcast %add3A_157 : i32 to vector<256x128xi32>
    %select_n3A_159 = arith.select %gt3A_152, %broadcast_in_dim3A_158, %select_n3A_147 : vector<256x128xi1>, vector<256x128xi32>
    %select_n3A_160 = arith.select %gt3A_152, %slice3A_149, %select_n3A_148 : vector<256x128xi1>, vector<256x128xf32>
    %slice3A_161 = vector.extract_strided_slice %dot_general3A_22 {offsets = [0, 2816], sizes = [256, 128], strides = [1, 1]} : vector<1024x4096xf32> to vector<256x128xf32>
    %slice3A_162 = vector.extract_strided_slice %dot_general3A_22 {offsets = [0, 2944], sizes = [256, 128], strides = [1, 1]} : vector<1024x4096xf32> to vector<256x128xf32>
    %max3A_163 = arith.maximumf %slice3A_161, %slice3A_162 : vector<256x128xf32>
    %gt3A_164 = arith.cmpf ogt, %max3A_163, %max3A_153 : vector<256x128xf32>
    %max3A_165 = arith.maximumf %max3A_163, %max3A_153 : vector<256x128xf32>
    %mul3A_166 = arith.constant 16 : i32
    %mul3A_167 = arith.muli %arg0, %mul3A_166 : i32
    %add3A_168 = arith.constant 11 : i32
    %add3A_169 = arith.addi %mul3A_167, %add3A_168 : i32
    %broadcast_in_dim3A_170 = vector.broadcast %add3A_169 : i32 to vector<256x128xi32>
    %select_n3A_171 = arith.select %gt3A_164, %broadcast_in_dim3A_170, %select_n3A_159 : vector<256x128xi1>, vector<256x128xi32>
    %select_n3A_172 = arith.select %gt3A_164, %slice3A_161, %select_n3A_160 : vector<256x128xi1>, vector<256x128xf32>
    %slice3A_173 = vector.extract_strided_slice %dot_general3A_22 {offsets = [0, 3072], sizes = [256, 128], strides = [1, 1]} : vector<1024x4096xf32> to vector<256x128xf32>
    %slice3A_174 = vector.extract_strided_slice %dot_general3A_22 {offsets = [0, 3200], sizes = [256, 128], strides = [1, 1]} : vector<1024x4096xf32> to vector<256x128xf32>
    %max3A_175 = arith.maximumf %slice3A_173, %slice3A_174 : vector<256x128xf32>
    %gt3A_176 = arith.cmpf ogt, %max3A_175, %max3A_165 : vector<256x128xf32>
    %max3A_177 = arith.maximumf %max3A_175, %max3A_165 : vector<256x128xf32>
    %mul3A_178 = arith.constant 16 : i32
    %mul3A_179 = arith.muli %arg0, %mul3A_178 : i32
    %add3A_180 = arith.constant 12 : i32
    %add3A_181 = arith.addi %mul3A_179, %add3A_180 : i32
    %broadcast_in_dim3A_182 = vector.broadcast %add3A_181 : i32 to vector<256x128xi32>
    %select_n3A_183 = arith.select %gt3A_176, %broadcast_in_dim3A_182, %select_n3A_171 : vector<256x128xi1>, vector<256x128xi32>
    %select_n3A_184 = arith.select %gt3A_176, %slice3A_173, %select_n3A_172 : vector<256x128xi1>, vector<256x128xf32>
    %slice3A_185 = vector.extract_strided_slice %dot_general3A_22 {offsets = [0, 3328], sizes = [256, 128], strides = [1, 1]} : vector<1024x4096xf32> to vector<256x128xf32>
    %slice3A_186 = vector.extract_strided_slice %dot_general3A_22 {offsets = [0, 3456], sizes = [256, 128], strides = [1, 1]} : vector<1024x4096xf32> to vector<256x128xf32>
    %max3A_187 = arith.maximumf %slice3A_185, %slice3A_186 : vector<256x128xf32>
    %gt3A_188 = arith.cmpf ogt, %max3A_187, %max3A_177 : vector<256x128xf32>
    %max3A_189 = arith.maximumf %max3A_187, %max3A_177 : vector<256x128xf32>
    %mul3A_190 = arith.constant 16 : i32
    %mul3A_191 = arith.muli %arg0, %mul3A_190 : i32
    %add3A_192 = arith.constant 13 : i32
    %add3A_193 = arith.addi %mul3A_191, %add3A_192 : i32
    %broadcast_in_dim3A_194 = vector.broadcast %add3A_193 : i32 to vector<256x128xi32>
    %select_n3A_195 = arith.select %gt3A_188, %broadcast_in_dim3A_194, %select_n3A_183 : vector<256x128xi1>, vector<256x128xi32>
    %select_n3A_196 = arith.select %gt3A_188, %slice3A_185, %select_n3A_184 : vector<256x128xi1>, vector<256x128xf32>
    %slice3A_197 = vector.extract_strided_slice %dot_general3A_22 {offsets = [0, 3584], sizes = [256, 128], strides = [1, 1]} : vector<1024x4096xf32> to vector<256x128xf32>
    %slice3A_198 = vector.extract_strided_slice %dot_general3A_22 {offsets = [0, 3712], sizes = [256, 128], strides = [1, 1]} : vector<1024x4096xf32> to vector<256x128xf32>
    %max3A_199 = arith.maximumf %slice3A_197, %slice3A_198 : vector<256x128xf32>
    %gt3A_200 = arith.cmpf ogt, %max3A_199, %max3A_189 : vector<256x128xf32>
    %max3A_201 = arith.maximumf %max3A_199, %max3A_189 : vector<256x128xf32>
    %mul3A_202 = arith.constant 16 : i32
    %mul3A_203 = arith.muli %arg0, %mul3A_202 : i32
    %add3A_204 = arith.constant 14 : i32
    %add3A_205 = arith.addi %mul3A_203, %add3A_204 : i32
    %broadcast_in_dim3A_206 = vector.broadcast %add3A_205 : i32 to vector<256x128xi32>
    %select_n3A_207 = arith.select %gt3A_200, %broadcast_in_dim3A_206, %select_n3A_195 : vector<256x128xi1>, vector<256x128xi32>
    %select_n3A_208 = arith.select %gt3A_200, %slice3A_197, %select_n3A_196 : vector<256x128xi1>, vector<256x128xf32>
    %slice3A_209 = vector.extract_strided_slice %dot_general3A_22 {offsets = [0, 3840], sizes = [256, 128], strides = [1, 1]} : vector<1024x4096xf32> to vector<256x128xf32>
    %slice3A_210 = vector.extract_strided_slice %dot_general3A_22 {offsets = [0, 3968], sizes = [256, 128], strides = [1, 1]} : vector<1024x4096xf32> to vector<256x128xf32>
    %max3A_211 = arith.maximumf %slice3A_209, %slice3A_210 : vector<256x128xf32>
    %gt3A_212 = arith.cmpf ogt, %max3A_211, %max3A_201 : vector<256x128xf32>
    %max3A_213 = arith.maximumf %max3A_211, %max3A_201 : vector<256x128xf32>
    %mul3A_214 = arith.constant 16 : i32
    %mul3A_215 = arith.muli %arg0, %mul3A_214 : i32
    %add3A_216 = arith.constant 15 : i32
    %add3A_217 = arith.addi %mul3A_215, %add3A_216 : i32
    %broadcast_in_dim3A_218 = vector.broadcast %add3A_217 : i32 to vector<256x128xi32>
    %select_n3A_219 = arith.select %gt3A_212, %broadcast_in_dim3A_218, %select_n3A_207 : vector<256x128xi1>, vector<256x128xi32>
    %select_n3A_220 = arith.select %gt3A_212, %slice3A_209, %select_n3A_208 : vector<256x128xi1>, vector<256x128xf32>
    %swap3A_221 = arith.constant 0 : index
    %swap3A_222 = arith.constant 0 : index
    %swap3A_223 = vector.load %arg9[%swap3A_221, %swap3A_222] : memref<1024x128xf32, #tpu.memory_space<vmem>>, vector<256x128xf32>
    tpu.vector_store %arg9[%swap3A_221, %swap3A_222], %max3A_213 {strides = array<i32>} : memref<1024x128xf32, #tpu.memory_space<vmem>>, vector<256x128xf32>,
    %swap3A_224 = arith.constant 0 : index
    %swap3A_225 = arith.constant 0 : index
    %swap3A_226 = vector.load %arg10[%swap3A_224, %swap3A_225] : memref<1024x128xi32, #tpu.memory_space<vmem>>, vector<256x128xi32>
    tpu.vector_store %arg10[%swap3A_224, %swap3A_225], %select_n3A_219 {strides = array<i32>} : memref<1024x128xi32, #tpu.memory_space<vmem>>, vector<256x128xi32>,
    %swap3A_227 = arith.constant 0 : index
    %swap3A_228 = arith.constant 0 : index
    %swap3A_229 = vector.load %arg11[%swap3A_227, %swap3A_228] : memref<1024x128xf32, #tpu.memory_space<vmem>>, vector<256x128xf32>
    tpu.vector_store %arg11[%swap3A_227, %swap3A_228], %select_n3A_220 {strides = array<i32>} : memref<1024x128xf32, #tpu.memory_space<vmem>>, vector<256x128xf32>,
    %get3A_230 = arith.constant 256 : index
    %get3A_231 = arith.constant 0 : index
    %get3A_232 = vector.load %arg9[%get3A_230, %get3A_231] : memref<1024x128xf32, #tpu.memory_space<vmem>>, vector<256x128xf32>
    %get3A_233 = arith.constant 256 : index
    %get3A_234 = arith.constant 0 : index
    %get3A_235 = vector.load %arg10[%get3A_233, %get3A_234] : memref<1024x128xi32, #tpu.memory_space<vmem>>, vector<256x128xi32>
    %get3A_236 = arith.constant 256 : index
    %get3A_237 = arith.constant 0 : index
    %get3A_238 = vector.load %arg11[%get3A_236, %get3A_237] : memref<1024x128xf32, #tpu.memory_space<vmem>>, vector<256x128xf32>
    %slice3A_239 = vector.extract_strided_slice %dot_general3A_22 {offsets = [256, 0], sizes = [256, 128], strides = [1, 1]} : vector<1024x4096xf32> to vector<256x128xf32>
    %slice3A_240 = vector.extract_strided_slice %dot_general3A_22 {offsets = [256, 128], sizes = [256, 128], strides = [1, 1]} : vector<1024x4096xf32> to vector<256x128xf32>
    %max3A_241 = arith.maximumf %slice3A_239, %slice3A_240 : vector<256x128xf32>
    %gt3A_242 = arith.cmpf ogt, %max3A_241, %get3A_232 : vector<256x128xf32>
    %max3A_243 = arith.maximumf %max3A_241, %get3A_232 : vector<256x128xf32>
    %mul3A_244 = arith.constant 16 : i32
    %mul3A_245 = arith.muli %arg0, %mul3A_244 : i32
    %add3A_246 = arith.constant 0 : i32
    %add3A_247 = arith.addi %mul3A_245, %add3A_246 : i32
    %broadcast_in_dim3A_248 = vector.broadcast %add3A_247 : i32 to vector<256x128xi32>
    %select_n3A_249 = arith.select %gt3A_242, %broadcast_in_dim3A_248, %get3A_235 : vector<256x128xi1>, vector<256x128xi32>
    %select_n3A_250 = arith.select %gt3A_242, %slice3A_239, %get3A_238 : vector<256x128xi1>, vector<256x128xf32>
    %slice3A_251 = vector.extract_strided_slice %dot_general3A_22 {offsets = [256, 256], sizes = [256, 128], strides = [1, 1]} : vector<1024x4096xf32> to vector<256x128xf32>
    %slice3A_252 = vector.extract_strided_slice %dot_general3A_22 {offsets = [256, 384], sizes = [256, 128], strides = [1, 1]} : vector<1024x4096xf32> to vector<256x128xf32>
    %max3A_253 = arith.maximumf %slice3A_251, %slice3A_252 : vector<256x128xf32>
    %gt3A_254 = arith.cmpf ogt, %max3A_253, %max3A_243 : vector<256x128xf32>
    %max3A_255 = arith.maximumf %max3A_253, %max3A_243 : vector<256x128xf32>
    %mul3A_256 = arith.constant 16 : i32
    %mul3A_257 = arith.muli %arg0, %mul3A_256 : i32
    %add3A_258 = arith.constant 1 : i32
    %add3A_259 = arith.addi %mul3A_257, %add3A_258 : i32
    %broadcast_in_dim3A_260 = vector.broadcast %add3A_259 : i32 to vector<256x128xi32>
    %select_n3A_261 = arith.select %gt3A_254, %broadcast_in_dim3A_260, %select_n3A_249 : vector<256x128xi1>, vector<256x128xi32>
    %select_n3A_262 = arith.select %gt3A_254, %slice3A_251, %select_n3A_250 : vector<256x128xi1>, vector<256x128xf32>
    %slice3A_263 = vector.extract_strided_slice %dot_general3A_22 {offsets = [256, 512], sizes = [256, 128], strides = [1, 1]} : vector<1024x4096xf32> to vector<256x128xf32>
    %slice3A_264 = vector.extract_strided_slice %dot_general3A_22 {offsets = [256, 640], sizes = [256, 128], strides = [1, 1]} : vector<1024x4096xf32> to vector<256x128xf32>
    %max3A_265 = arith.maximumf %slice3A_263, %slice3A_264 : vector<256x128xf32>
    %gt3A_266 = arith.cmpf ogt, %max3A_265, %max3A_255 : vector<256x128xf32>
    %max3A_267 = arith.maximumf %max3A_265, %max3A_255 : vector<256x128xf32>
    %mul3A_268 = arith.constant 16 : i32
    %mul3A_269 = arith.muli %arg0, %mul3A_268 : i32
    %add3A_270 = arith.constant 2 : i32
    %add3A_271 = arith.addi %mul3A_269, %add3A_270 : i32
    %broadcast_in_dim3A_272 = vector.broadcast %add3A_271 : i32 to vector<256x128xi32>
    %select_n3A_273 = arith.select %gt3A_266, %broadcast_in_dim3A_272, %select_n3A_261 : vector<256x128xi1>, vector<256x128xi32>
    %select_n3A_274 = arith.select %gt3A_266, %slice3A_263, %select_n3A_262 : vector<256x128xi1>, vector<256x128xf32>
    %slice3A_275 = vector.extract_strided_slice %dot_general3A_22 {offsets = [256, 768], sizes = [256, 128], strides = [1, 1]} : vector<1024x4096xf32> to vector<256x128xf32>
    %slice3A_276 = vector.extract_strided_slice %dot_general3A_22 {offsets = [256, 896], sizes = [256, 128], strides = [1, 1]} : vector<1024x4096xf32> to vector<256x128xf32>
    %max3A_277 = arith.maximumf %slice3A_275, %slice3A_276 : vector<256x128xf32>
    %gt3A_278 = arith.cmpf ogt, %max3A_277, %max3A_267 : vector<256x128xf32>
    %max3A_279 = arith.maximumf %max3A_277, %max3A_267 : vector<256x128xf32>
    %mul3A_280 = arith.constant 16 : i32
    %mul3A_281 = arith.muli %arg0, %mul3A_280 : i32
    %add3A_282 = arith.constant 3 : i32
    %add3A_283 = arith.addi %mul3A_281, %add3A_282 : i32
    %broadcast_in_dim3A_284 = vector.broadcast %add3A_283 : i32 to vector<256x128xi32>
    %select_n3A_285 = arith.select %gt3A_278, %broadcast_in_dim3A_284, %select_n3A_273 : vector<256x128xi1>, vector<256x128xi32>
    %select_n3A_286 = arith.select %gt3A_278, %slice3A_275, %select_n3A_274 : vector<256x128xi1>, vector<256x128xf32>
    %slice3A_287 = vector.extract_strided_slice %dot_general3A_22 {offsets = [256, 1024], sizes = [256, 128], strides = [1, 1]} : vector<1024x4096xf32> to vector<256x128xf32>
    %slice3A_288 = vector.extract_strided_slice %dot_general3A_22 {offsets = [256, 1152], sizes = [256, 128], strides = [1, 1]} : vector<1024x4096xf32> to vector<256x128xf32>
    %max3A_289 = arith.maximumf %slice3A_287, %slice3A_288 : vector<256x128xf32>
    %gt3A_290 = arith.cmpf ogt, %max3A_289, %max3A_279 : vector<256x128xf32>
    %max3A_291 = arith.maximumf %max3A_289, %max3A_279 : vector<256x128xf32>
    %mul3A_292 = arith.constant 16 : i32
    %mul3A_293 = arith.muli %arg0, %mul3A_292 : i32
    %add3A_294 = arith.constant 4 : i32
    %add3A_295 = arith.addi %mul3A_293, %add3A_294 : i32
    %broadcast_in_dim3A_296 = vector.broadcast %add3A_295 : i32 to vector<256x128xi32>
    %select_n3A_297 = arith.select %gt3A_290, %broadcast_in_dim3A_296, %select_n3A_285 : vector<256x128xi1>, vector<256x128xi32>
    %select_n3A_298 = arith.select %gt3A_290, %slice3A_287, %select_n3A_286 : vector<256x128xi1>, vector<256x128xf32>
    %slice3A_299 = vector.extract_strided_slice %dot_general3A_22 {offsets = [256, 1280], sizes = [256, 128], strides = [1, 1]} : vector<1024x4096xf32> to vector<256x128xf32>
    %slice3A_300 = vector.extract_strided_slice %dot_general3A_22 {offsets = [256, 1408], sizes = [256, 128], strides = [1, 1]} : vector<1024x4096xf32> to vector<256x128xf32>
    %max3A_301 = arith.maximumf %slice3A_299, %slice3A_300 : vector<256x128xf32>
    %gt3A_302 = arith.cmpf ogt, %max3A_301, %max3A_291 : vector<256x128xf32>
    %max3A_303 = arith.maximumf %max3A_301, %max3A_291 : vector<256x128xf32>
    %mul3A_304 = arith.constant 16 : i32
    %mul3A_305 = arith.muli %arg0, %mul3A_304 : i32
    %add3A_306 = arith.constant 5 : i32
    %add3A_307 = arith.addi %mul3A_305, %add3A_306 : i32
    %broadcast_in_dim3A_308 = vector.broadcast %add3A_307 : i32 to vector<256x128xi32>
    %select_n3A_309 = arith.select %gt3A_302, %broadcast_in_dim3A_308, %select_n3A_297 : vector<256x128xi1>, vector<256x128xi32>
    %select_n3A_310 = arith.select %gt3A_302, %slice3A_299, %select_n3A_298 : vector<256x128xi1>, vector<256x128xf32>
    %slice3A_311 = vector.extract_strided_slice %dot_general3A_22 {offsets = [256, 1536], sizes = [256, 128], strides = [1, 1]} : vector<1024x4096xf32> to vector<256x128xf32>
    %slice3A_312 = vector.extract_strided_slice %dot_general3A_22 {offsets = [256, 1664], sizes = [256, 128], strides = [1, 1]} : vector<1024x4096xf32> to vector<256x128xf32>
    %max3A_313 = arith.maximumf %slice3A_311, %slice3A_312 : vector<256x128xf32>
    %gt3A_314 = arith.cmpf ogt, %max3A_313, %max3A_303 : vector<256x128xf32>
    %max3A_315 = arith.maximumf %max3A_313, %max3A_303 : vector<256x128xf32>
    %mul3A_316 = arith.constant 16 : i32
    %mul3A_317 = arith.muli %arg0, %mul3A_316 : i32
    %add3A_318 = arith.constant 6 : i32
    %add3A_319 = arith.addi %mul3A_317, %add3A_318 : i32
    %broadcast_in_dim3A_320 = vector.broadcast %add3A_319 : i32 to vector<256x128xi32>
    %select_n3A_321 = arith.select %gt3A_314, %broadcast_in_dim3A_320, %select_n3A_309 : vector<256x128xi1>, vector<256x128xi32>
    %select_n3A_322 = arith.select %gt3A_314, %slice3A_311, %select_n3A_310 : vector<256x128xi1>, vector<256x128xf32>
    %slice3A_323 = vector.extract_strided_slice %dot_general3A_22 {offsets = [256, 1792], sizes = [256, 128], strides = [1, 1]} : vector<1024x4096xf32> to vector<256x128xf32>
    %slice3A_324 = vector.extract_strided_slice %dot_general3A_22 {offsets = [256, 1920], sizes = [256, 128], strides = [1, 1]} : vector<1024x4096xf32> to vector<256x128xf32>
    %max3A_325 = arith.maximumf %slice3A_323, %slice3A_324 : vector<256x128xf32>
    %gt3A_326 = arith.cmpf ogt, %max3A_325, %max3A_315 : vector<256x128xf32>
    %max3A_327 = arith.maximumf %max3A_325, %max3A_315 : vector<256x128xf32>
    %mul3A_328 = arith.constant 16 : i32
    %mul3A_329 = arith.muli %arg0, %mul3A_328 : i32
    %add3A_330 = arith.constant 7 : i32
    %add3A_331 = arith.addi %mul3A_329, %add3A_330 : i32
    %broadcast_in_dim3A_332 = vector.broadcast %add3A_331 : i32 to vector<256x128xi32>
    %select_n3A_333 = arith.select %gt3A_326, %broadcast_in_dim3A_332, %select_n3A_321 : vector<256x128xi1>, vector<256x128xi32>
    %select_n3A_334 = arith.select %gt3A_326, %slice3A_323, %select_n3A_322 : vector<256x128xi1>, vector<256x128xf32>
    %slice3A_335 = vector.extract_strided_slice %dot_general3A_22 {offsets = [256, 2048], sizes = [256, 128], strides = [1, 1]} : vector<1024x4096xf32> to vector<256x128xf32>
    %slice3A_336 = vector.extract_strided_slice %dot_general3A_22 {offsets = [256, 2176], sizes = [256, 128], strides = [1, 1]} : vector<1024x4096xf32> to vector<256x128xf32>
    %max3A_337 = arith.maximumf %slice3A_335, %slice3A_336 : vector<256x128xf32>
    %gt3A_338 = arith.cmpf ogt, %max3A_337, %max3A_327 : vector<256x128xf32>
    %max3A_339 = arith.maximumf %max3A_337, %max3A_327 : vector<256x128xf32>
    %mul3A_340 = arith.constant 16 : i32
    %mul3A_341 = arith.muli %arg0, %mul3A_340 : i32
    %add3A_342 = arith.constant 8 : i32
    %add3A_343 = arith.addi %mul3A_341, %add3A_342 : i32
    %broadcast_in_dim3A_344 = vector.broadcast %add3A_343 : i32 to vector<256x128xi32>
    %select_n3A_345 = arith.select %gt3A_338, %broadcast_in_dim3A_344, %select_n3A_333 : vector<256x128xi1>, vector<256x128xi32>
    %select_n3A_346 = arith.select %gt3A_338, %slice3A_335, %select_n3A_334 : vector<256x128xi1>, vector<256x128xf32>
    %slice3A_347 = vector.extract_strided_slice %dot_general3A_22 {offsets = [256, 2304], sizes = [256, 128], strides = [1, 1]} : vector<1024x4096xf32> to vector<256x128xf32>
    %slice3A_348 = vector.extract_strided_slice %dot_general3A_22 {offsets = [256, 2432], sizes = [256, 128], strides = [1, 1]} : vector<1024x4096xf32> to vector<256x128xf32>
    %max3A_349 = arith.maximumf %slice3A_347, %slice3A_348 : vector<256x128xf32>
    %gt3A_350 = arith.cmpf ogt, %max3A_349, %max3A_339 : vector<256x128xf32>
    %max3A_351 = arith.maximumf %max3A_349, %max3A_339 : vector<256x128xf32>
    %mul3A_352 = arith.constant 16 : i32
    %mul3A_353 = arith.muli %arg0, %mul3A_352 : i32
    %add3A_354 = arith.constant 9 : i32
    %add3A_355 = arith.addi %mul3A_353, %add3A_354 : i32
    %broadcast_in_dim3A_356 = vector.broadcast %add3A_355 : i32 to vector<256x128xi32>
    %select_n3A_357 = arith.select %gt3A_350, %broadcast_in_dim3A_356, %select_n3A_345 : vector<256x128xi1>, vector<256x128xi32>
    %select_n3A_358 = arith.select %gt3A_350, %slice3A_347, %select_n3A_346 : vector<256x128xi1>, vector<256x128xf32>
    %slice3A_359 = vector.extract_strided_slice %dot_general3A_22 {offsets = [256, 2560], sizes = [256, 128], strides = [1, 1]} : vector<1024x4096xf32> to vector<256x128xf32>
    %slice3A_360 = vector.extract_strided_slice %dot_general3A_22 {offsets = [256, 2688], sizes = [256, 128], strides = [1, 1]} : vector<1024x4096xf32> to vector<256x128xf32>
    %max3A_361 = arith.maximumf %slice3A_359, %slice3A_360 : vector<256x128xf32>
    %gt3A_362 = arith.cmpf ogt, %max3A_361, %max3A_351 : vector<256x128xf32>
    %max3A_363 = arith.maximumf %max3A_361, %max3A_351 : vector<256x128xf32>
    %mul3A_364 = arith.constant 16 : i32
    %mul3A_365 = arith.muli %arg0, %mul3A_364 : i32
    %add3A_366 = arith.constant 10 : i32
    %add3A_367 = arith.addi %mul3A_365, %add3A_366 : i32
    %broadcast_in_dim3A_368 = vector.broadcast %add3A_367 : i32 to vector<256x128xi32>
    %select_n3A_369 = arith.select %gt3A_362, %broadcast_in_dim3A_368, %select_n3A_357 : vector<256x128xi1>, vector<256x128xi32>
    %select_n3A_370 = arith.select %gt3A_362, %slice3A_359, %select_n3A_358 : vector<256x128xi1>, vector<256x128xf32>
    %slice3A_371 = vector.extract_strided_slice %dot_general3A_22 {offsets = [256, 2816], sizes = [256, 128], strides = [1, 1]} : vector<1024x4096xf32> to vector<256x128xf32>
    %slice3A_372 = vector.extract_strided_slice %dot_general3A_22 {offsets = [256, 2944], sizes = [256, 128], strides = [1, 1]} : vector<1024x4096xf32> to vector<256x128xf32>
    %max3A_373 = arith.maximumf %slice3A_371, %slice3A_372 : vector<256x128xf32>
    %gt3A_374 = arith.cmpf ogt, %max3A_373, %max3A_363 : vector<256x128xf32>
    %max3A_375 = arith.maximumf %max3A_373, %max3A_363 : vector<256x128xf32>
    %mul3A_376 = arith.constant 16 : i32
    %mul3A_377 = arith.muli %arg0, %mul3A_376 : i32
    %add3A_378 = arith.constant 11 : i32
    %add3A_379 = arith.addi %mul3A_377, %add3A_378 : i32
    %broadcast_in_dim3A_380 = vector.broadcast %add3A_379 : i32 to vector<256x128xi32>
    %select_n3A_381 = arith.select %gt3A_374, %broadcast_in_dim3A_380, %select_n3A_369 : vector<256x128xi1>, vector<256x128xi32>
    %select_n3A_382 = arith.select %gt3A_374, %slice3A_371, %select_n3A_370 : vector<256x128xi1>, vector<256x128xf32>
    %slice3A_383 = vector.extract_strided_slice %dot_general3A_22 {offsets = [256, 3072], sizes = [256, 128], strides = [1, 1]} : vector<1024x4096xf32> to vector<256x128xf32>
    %slice3A_384 = vector.extract_strided_slice %dot_general3A_22 {offsets = [256, 3200], sizes = [256, 128], strides = [1, 1]} : vector<1024x4096xf32> to vector<256x128xf32>
    %max3A_385 = arith.maximumf %slice3A_383, %slice3A_384 : vector<256x128xf32>
    %gt3A_386 = arith.cmpf ogt, %max3A_385, %max3A_375 : vector<256x128xf32>
    %max3A_387 = arith.maximumf %max3A_385, %max3A_375 : vector<256x128xf32>
    %mul3A_388 = arith.constant 16 : i32
    %mul3A_389 = arith.muli %arg0, %mul3A_388 : i32
    %add3A_390 = arith.constant 12 : i32
    %add3A_391 = arith.addi %mul3A_389, %add3A_390 : i32
    %broadcast_in_dim3A_392 = vector.broadcast %add3A_391 : i32 to vector<256x128xi32>
    %select_n3A_393 = arith.select %gt3A_386, %broadcast_in_dim3A_392, %select_n3A_381 : vector<256x128xi1>, vector<256x128xi32>
    %select_n3A_394 = arith.select %gt3A_386, %slice3A_383, %select_n3A_382 : vector<256x128xi1>, vector<256x128xf32>
    %slice3A_395 = vector.extract_strided_slice %dot_general3A_22 {offsets = [256, 3328], sizes = [256, 128], strides = [1, 1]} : vector<1024x4096xf32> to vector<256x128xf32>
    %slice3A_396 = vector.extract_strided_slice %dot_general3A_22 {offsets = [256, 3456], sizes = [256, 128], strides = [1, 1]} : vector<1024x4096xf32> to vector<256x128xf32>
    %max3A_397 = arith.maximumf %slice3A_395, %slice3A_396 : vector<256x128xf32>
    %gt3A_398 = arith.cmpf ogt, %max3A_397, %max3A_387 : vector<256x128xf32>
    %max3A_399 = arith.maximumf %max3A_397, %max3A_387 : vector<256x128xf32>
    %mul3A_400 = arith.constant 16 : i32
    %mul3A_401 = arith.muli %arg0, %mul3A_400 : i32
    %add3A_402 = arith.constant 13 : i32
    %add3A_403 = arith.addi %mul3A_401, %add3A_402 : i32
    %broadcast_in_dim3A_404 = vector.broadcast %add3A_403 : i32 to vector<256x128xi32>
    %select_n3A_405 = arith.select %gt3A_398, %broadcast_in_dim3A_404, %select_n3A_393 : vector<256x128xi1>, vector<256x128xi32>
    %select_n3A_406 = arith.select %gt3A_398, %slice3A_395, %select_n3A_394 : vector<256x128xi1>, vector<256x128xf32>
    %slice3A_407 = vector.extract_strided_slice %dot_general3A_22 {offsets = [256, 3584], sizes = [256, 128], strides = [1, 1]} : vector<1024x4096xf32> to vector<256x128xf32>
    %slice3A_408 = vector.extract_strided_slice %dot_general3A_22 {offsets = [256, 3712], sizes = [256, 128], strides = [1, 1]} : vector<1024x4096xf32> to vector<256x128xf32>
    %max3A_409 = arith.maximumf %slice3A_407, %slice3A_408 : vector<256x128xf32>
    %gt3A_410 = arith.cmpf ogt, %max3A_409, %max3A_399 : vector<256x128xf32>
    %max3A_411 = arith.maximumf %max3A_409, %max3A_399 : vector<256x128xf32>
    %mul3A_412 = arith.constant 16 : i32
    %mul3A_413 = arith.muli %arg0, %mul3A_412 : i32
    %add3A_414 = arith.constant 14 : i32
    %add3A_415 = arith.addi %mul3A_413, %add3A_414 : i32
    %broadcast_in_dim3A_416 = vector.broadcast %add3A_415 : i32 to vector<256x128xi32>
    %select_n3A_417 = arith.select %gt3A_410, %broadcast_in_dim3A_416, %select_n3A_405 : vector<256x128xi1>, vector<256x128xi32>
    %select_n3A_418 = arith.select %gt3A_410, %slice3A_407, %select_n3A_406 : vector<256x128xi1>, vector<256x128xf32>
    %slice3A_419 = vector.extract_strided_slice %dot_general3A_22 {offsets = [256, 3840], sizes = [256, 128], strides = [1, 1]} : vector<1024x4096xf32> to vector<256x128xf32>
    %slice3A_420 = vector.extract_strided_slice %dot_general3A_22 {offsets = [256, 3968], sizes = [256, 128], strides = [1, 1]} : vector<1024x4096xf32> to vector<256x128xf32>
    %max3A_421 = arith.maximumf %slice3A_419, %slice3A_420 : vector<256x128xf32>
    %gt3A_422 = arith.cmpf ogt, %max3A_421, %max3A_411 : vector<256x128xf32>
    %max3A_423 = arith.maximumf %max3A_421, %max3A_411 : vector<256x128xf32>
    %mul3A_424 = arith.constant 16 : i32
    %mul3A_425 = arith.muli %arg0, %mul3A_424 : i32
    %add3A_426 = arith.constant 15 : i32
    %add3A_427 = arith.addi %mul3A_425, %add3A_426 : i32
    %broadcast_in_dim3A_428 = vector.broadcast %add3A_427 : i32 to vector<256x128xi32>
    %select_n3A_429 = arith.select %gt3A_422, %broadcast_in_dim3A_428, %select_n3A_417 : vector<256x128xi1>, vector<256x128xi32>
    %select_n3A_430 = arith.select %gt3A_422, %slice3A_419, %select_n3A_418 : vector<256x128xi1>, vector<256x128xf32>
    %swap3A_431 = arith.constant 256 : index
    %swap3A_432 = arith.constant 0 : index
    %swap3A_433 = vector.load %arg9[%swap3A_431, %swap3A_432] : memref<1024x128xf32, #tpu.memory_space<vmem>>, vector<256x128xf32>
    tpu.vector_store %arg9[%swap3A_431, %swap3A_432], %max3A_423 {strides = array<i32>} : memref<1024x128xf32, #tpu.memory_space<vmem>>, vector<256x128xf32>,
    %swap3A_434 = arith.constant 256 : index
    %swap3A_435 = arith.constant 0 : index
    %swap3A_436 = vector.load %arg10[%swap3A_434, %swap3A_435] : memref<1024x128xi32, #tpu.memory_space<vmem>>, vector<256x128xi32>
    tpu.vector_store %arg10[%swap3A_434, %swap3A_435], %select_n3A_429 {strides = array<i32>} : memref<1024x128xi32, #tpu.memory_space<vmem>>, vector<256x128xi32>,
    %swap3A_437 = arith.constant 256 : index
    %swap3A_438 = arith.constant 0 : index
    %swap3A_439 = vector.load %arg11[%swap3A_437, %swap3A_438] : memref<1024x128xf32, #tpu.memory_space<vmem>>, vector<256x128xf32>
    tpu.vector_store %arg11[%swap3A_437, %swap3A_438], %select_n3A_430 {strides = array<i32>} : memref<1024x128xf32, #tpu.memory_space<vmem>>, vector<256x128xf32>,
    %get3A_440 = arith.constant 512 : index
    %get3A_441 = arith.constant 0 : index
    %get3A_442 = vector.load %arg9[%get3A_440, %get3A_441] : memref<1024x128xf32, #tpu.memory_space<vmem>>, vector<256x128xf32>
    %get3A_443 = arith.constant 512 : index
    %get3A_444 = arith.constant 0 : index
    %get3A_445 = vector.load %arg10[%get3A_443, %get3A_444] : memref<1024x128xi32, #tpu.memory_space<vmem>>, vector<256x128xi32>
    %get3A_446 = arith.constant 512 : index
    %get3A_447 = arith.constant 0 : index
    %get3A_448 = vector.load %arg11[%get3A_446, %get3A_447] : memref<1024x128xf32, #tpu.memory_space<vmem>>, vector<256x128xf32>
    %slice3A_449 = vector.extract_strided_slice %dot_general3A_22 {offsets = [512, 0], sizes = [256, 128], strides = [1, 1]} : vector<1024x4096xf32> to vector<256x128xf32>
    %slice3A_450 = vector.extract_strided_slice %dot_general3A_22 {offsets = [512, 128], sizes = [256, 128], strides = [1, 1]} : vector<1024x4096xf32> to vector<256x128xf32>
    %max3A_451 = arith.maximumf %slice3A_449, %slice3A_450 : vector<256x128xf32>
    %gt3A_452 = arith.cmpf ogt, %max3A_451, %get3A_442 : vector<256x128xf32>
    %max3A_453 = arith.maximumf %max3A_451, %get3A_442 : vector<256x128xf32>
    %mul3A_454 = arith.constant 16 : i32
    %mul3A_455 = arith.muli %arg0, %mul3A_454 : i32
    %add3A_456 = arith.constant 0 : i32
    %add3A_457 = arith.addi %mul3A_455, %add3A_456 : i32
    %broadcast_in_dim3A_458 = vector.broadcast %add3A_457 : i32 to vector<256x128xi32>
    %select_n3A_459 = arith.select %gt3A_452, %broadcast_in_dim3A_458, %get3A_445 : vector<256x128xi1>, vector<256x128xi32>
    %select_n3A_460 = arith.select %gt3A_452, %slice3A_449, %get3A_448 : vector<256x128xi1>, vector<256x128xf32>
    %slice3A_461 = vector.extract_strided_slice %dot_general3A_22 {offsets = [512, 256], sizes = [256, 128], strides = [1, 1]} : vector<1024x4096xf32> to vector<256x128xf32>
    %slice3A_462 = vector.extract_strided_slice %dot_general3A_22 {offsets = [512, 384], sizes = [256, 128], strides = [1, 1]} : vector<1024x4096xf32> to vector<256x128xf32>
    %max3A_463 = arith.maximumf %slice3A_461, %slice3A_462 : vector<256x128xf32>
    %gt3A_464 = arith.cmpf ogt, %max3A_463, %max3A_453 : vector<256x128xf32>
    %max3A_465 = arith.maximumf %max3A_463, %max3A_453 : vector<256x128xf32>
    %mul3A_466 = arith.constant 16 : i32
    %mul3A_467 = arith.muli %arg0, %mul3A_466 : i32
    %add3A_468 = arith.constant 1 : i32
    %add3A_469 = arith.addi %mul3A_467, %add3A_468 : i32
    %broadcast_in_dim3A_470 = vector.broadcast %add3A_469 : i32 to vector<256x128xi32>
    %select_n3A_471 = arith.select %gt3A_464, %broadcast_in_dim3A_470, %select_n3A_459 : vector<256x128xi1>, vector<256x128xi32>
    %select_n3A_472 = arith.select %gt3A_464, %slice3A_461, %select_n3A_460 : vector<256x128xi1>, vector<256x128xf32>
    %slice3A_473 = vector.extract_strided_slice %dot_general3A_22 {offsets = [512, 512], sizes = [256, 128], strides = [1, 1]} : vector<1024x4096xf32> to vector<256x128xf32>
    %slice3A_474 = vector.extract_strided_slice %dot_general3A_22 {offsets = [512, 640], sizes = [256, 128], strides = [1, 1]} : vector<1024x4096xf32> to vector<256x128xf32>
    %max3A_475 = arith.maximumf %slice3A_473, %slice3A_474 : vector<256x128xf32>
    %gt3A_476 = arith.cmpf ogt, %max3A_475, %max3A_465 : vector<256x128xf32>
    %max3A_477 = arith.maximumf %max3A_475, %max3A_465 : vector<256x128xf32>
    %mul3A_478 = arith.constant 16 : i32
    %mul3A_479 = arith.muli %arg0, %mul3A_478 : i32
    %add3A_480 = arith.constant 2 : i32
    %add3A_481 = arith.addi %mul3A_479, %add3A_480 : i32
    %broadcast_in_dim3A_482 = vector.broadcast %add3A_481 : i32 to vector<256x128xi32>
    %select_n3A_483 = arith.select %gt3A_476, %broadcast_in_dim3A_482, %select_n3A_471 : vector<256x128xi1>, vector<256x128xi32>
    %select_n3A_484 = arith.select %gt3A_476, %slice3A_473, %select_n3A_472 : vector<256x128xi1>, vector<256x128xf32>
    %slice3A_485 = vector.extract_strided_slice %dot_general3A_22 {offsets = [512, 768], sizes = [256, 128], strides = [1, 1]} : vector<1024x4096xf32> to vector<256x128xf32>
    %slice3A_486 = vector.extract_strided_slice %dot_general3A_22 {offsets = [512, 896], sizes = [256, 128], strides = [1, 1]} : vector<1024x4096xf32> to vector<256x128xf32>
    %max3A_487 = arith.maximumf %slice3A_485, %slice3A_486 : vector<256x128xf32>
    %gt3A_488 = arith.cmpf ogt, %max3A_487, %max3A_477 : vector<256x128xf32>
    %max3A_489 = arith.maximumf %max3A_487, %max3A_477 : vector<256x128xf32>
    %mul3A_490 = arith.constant 16 : i32
    %mul3A_491 = arith.muli %arg0, %mul3A_490 : i32
    %add3A_492 = arith.constant 3 : i32
    %add3A_493 = arith.addi %mul3A_491, %add3A_492 : i32
    %broadcast_in_dim3A_494 = vector.broadcast %add3A_493 : i32 to vector<256x128xi32>
    %select_n3A_495 = arith.select %gt3A_488, %broadcast_in_dim3A_494, %select_n3A_483 : vector<256x128xi1>, vector<256x128xi32>
    %select_n3A_496 = arith.select %gt3A_488, %slice3A_485, %select_n3A_484 : vector<256x128xi1>, vector<256x128xf32>
    %slice3A_497 = vector.extract_strided_slice %dot_general3A_22 {offsets = [512, 1024], sizes = [256, 128], strides = [1, 1]} : vector<1024x4096xf32> to vector<256x128xf32>
    %slice3A_498 = vector.extract_strided_slice %dot_general3A_22 {offsets = [512, 1152], sizes = [256, 128], strides = [1, 1]} : vector<1024x4096xf32> to vector<256x128xf32>
    %max3A_499 = arith.maximumf %slice3A_497, %slice3A_498 : vector<256x128xf32>
    %gt3A_500 = arith.cmpf ogt, %max3A_499, %max3A_489 : vector<256x128xf32>
    %max3A_501 = arith.maximumf %max3A_499, %max3A_489 : vector<256x128xf32>
    %mul3A_502 = arith.constant 16 : i32
    %mul3A_503 = arith.muli %arg0, %mul3A_502 : i32
    %add3A_504 = arith.constant 4 : i32
    %add3A_505 = arith.addi %mul3A_503, %add3A_504 : i32
    %broadcast_in_dim3A_506 = vector.broadcast %add3A_505 : i32 to vector<256x128xi32>
    %select_n3A_507 = arith.select %gt3A_500, %broadcast_in_dim3A_506, %select_n3A_495 : vector<256x128xi1>, vector<256x128xi32>
    %select_n3A_508 = arith.select %gt3A_500, %slice3A_497, %select_n3A_496 : vector<256x128xi1>, vector<256x128xf32>
    %slice3A_509 = vector.extract_strided_slice %dot_general3A_22 {offsets = [512, 1280], sizes = [256, 128], strides = [1, 1]} : vector<1024x4096xf32> to vector<256x128xf32>
    %slice3A_510 = vector.extract_strided_slice %dot_general3A_22 {offsets = [512, 1408], sizes = [256, 128], strides = [1, 1]} : vector<1024x4096xf32> to vector<256x128xf32>
    %max3A_511 = arith.maximumf %slice3A_509, %slice3A_510 : vector<256x128xf32>
    %gt3A_512 = arith.cmpf ogt, %max3A_511, %max3A_501 : vector<256x128xf32>
    %max3A_513 = arith.maximumf %max3A_511, %max3A_501 : vector<256x128xf32>
    %mul3A_514 = arith.constant 16 : i32
    %mul3A_515 = arith.muli %arg0, %mul3A_514 : i32
    %add3A_516 = arith.constant 5 : i32
    %add3A_517 = arith.addi %mul3A_515, %add3A_516 : i32
    %broadcast_in_dim3A_518 = vector.broadcast %add3A_517 : i32 to vector<256x128xi32>
    %select_n3A_519 = arith.select %gt3A_512, %broadcast_in_dim3A_518, %select_n3A_507 : vector<256x128xi1>, vector<256x128xi32>
    %select_n3A_520 = arith.select %gt3A_512, %slice3A_509, %select_n3A_508 : vector<256x128xi1>, vector<256x128xf32>
    %slice3A_521 = vector.extract_strided_slice %dot_general3A_22 {offsets = [512, 1536], sizes = [256, 128], strides = [1, 1]} : vector<1024x4096xf32> to vector<256x128xf32>
    %slice3A_522 = vector.extract_strided_slice %dot_general3A_22 {offsets = [512, 1664], sizes = [256, 128], strides = [1, 1]} : vector<1024x4096xf32> to vector<256x128xf32>
    %max3A_523 = arith.maximumf %slice3A_521, %slice3A_522 : vector<256x128xf32>
    %gt3A_524 = arith.cmpf ogt, %max3A_523, %max3A_513 : vector<256x128xf32>
    %max3A_525 = arith.maximumf %max3A_523, %max3A_513 : vector<256x128xf32>
    %mul3A_526 = arith.constant 16 : i32
    %mul3A_527 = arith.muli %arg0, %mul3A_526 : i32
    %add3A_528 = arith.constant 6 : i32
    %add3A_529 = arith.addi %mul3A_527, %add3A_528 : i32
    %broadcast_in_dim3A_530 = vector.broadcast %add3A_529 : i32 to vector<256x128xi32>
    %select_n3A_531 = arith.select %gt3A_524, %broadcast_in_dim3A_530, %select_n3A_519 : vector<256x128xi1>, vector<256x128xi32>
    %select_n3A_532 = arith.select %gt3A_524, %slice3A_521, %select_n3A_520 : vector<256x128xi1>, vector<256x128xf32>
    %slice3A_533 = vector.extract_strided_slice %dot_general3A_22 {offsets = [512, 1792], sizes = [256, 128], strides = [1, 1]} : vector<1024x4096xf32> to vector<256x128xf32>
    %slice3A_534 = vector.extract_strided_slice %dot_general3A_22 {offsets = [512, 1920], sizes = [256, 128], strides = [1, 1]} : vector<1024x4096xf32> to vector<256x128xf32>
    %max3A_535 = arith.maximumf %slice3A_533, %slice3A_534 : vector<256x128xf32>
    %gt3A_536 = arith.cmpf ogt, %max3A_535, %max3A_525 : vector<256x128xf32>
    %max3A_537 = arith.maximumf %max3A_535, %max3A_525 : vector<256x128xf32>
    %mul3A_538 = arith.constant 16 : i32
    %mul3A_539 = arith.muli %arg0, %mul3A_538 : i32
    %add3A_540 = arith.constant 7 : i32
    %add3A_541 = arith.addi %mul3A_539, %add3A_540 : i32
    %broadcast_in_dim3A_542 = vector.broadcast %add3A_541 : i32 to vector<256x128xi32>
    %select_n3A_543 = arith.select %gt3A_536, %broadcast_in_dim3A_542, %select_n3A_531 : vector<256x128xi1>, vector<256x128xi32>
    %select_n3A_544 = arith.select %gt3A_536, %slice3A_533, %select_n3A_532 : vector<256x128xi1>, vector<256x128xf32>
    %slice3A_545 = vector.extract_strided_slice %dot_general3A_22 {offsets = [512, 2048], sizes = [256, 128], strides = [1, 1]} : vector<1024x4096xf32> to vector<256x128xf32>
    %slice3A_546 = vector.extract_strided_slice %dot_general3A_22 {offsets = [512, 2176], sizes = [256, 128], strides = [1, 1]} : vector<1024x4096xf32> to vector<256x128xf32>
    %max3A_547 = arith.maximumf %slice3A_545, %slice3A_546 : vector<256x128xf32>
    %gt3A_548 = arith.cmpf ogt, %max3A_547, %max3A_537 : vector<256x128xf32>
    %max3A_549 = arith.maximumf %max3A_547, %max3A_537 : vector<256x128xf32>
    %mul3A_550 = arith.constant 16 : i32
    %mul3A_551 = arith.muli %arg0, %mul3A_550 : i32
    %add3A_552 = arith.constant 8 : i32
    %add3A_553 = arith.addi %mul3A_551, %add3A_552 : i32
    %broadcast_in_dim3A_554 = vector.broadcast %add3A_553 : i32 to vector<256x128xi32>
    %select_n3A_555 = arith.select %gt3A_548, %broadcast_in_dim3A_554, %select_n3A_543 : vector<256x128xi1>, vector<256x128xi32>
    %select_n3A_556 = arith.select %gt3A_548, %slice3A_545, %select_n3A_544 : vector<256x128xi1>, vector<256x128xf32>
    %slice3A_557 = vector.extract_strided_slice %dot_general3A_22 {offsets = [512, 2304], sizes = [256, 128], strides = [1, 1]} : vector<1024x4096xf32> to vector<256x128xf32>
    %slice3A_558 = vector.extract_strided_slice %dot_general3A_22 {offsets = [512, 2432], sizes = [256, 128], strides = [1, 1]} : vector<1024x4096xf32> to vector<256x128xf32>
    %max3A_559 = arith.maximumf %slice3A_557, %slice3A_558 : vector<256x128xf32>
    %gt3A_560 = arith.cmpf ogt, %max3A_559, %max3A_549 : vector<256x128xf32>
    %max3A_561 = arith.maximumf %max3A_559, %max3A_549 : vector<256x128xf32>
    %mul3A_562 = arith.constant 16 : i32
    %mul3A_563 = arith.muli %arg0, %mul3A_562 : i32
    %add3A_564 = arith.constant 9 : i32
    %add3A_565 = arith.addi %mul3A_563, %add3A_564 : i32
    %broadcast_in_dim3A_566 = vector.broadcast %add3A_565 : i32 to vector<256x128xi32>
    %select_n3A_567 = arith.select %gt3A_560, %broadcast_in_dim3A_566, %select_n3A_555 : vector<256x128xi1>, vector<256x128xi32>
    %select_n3A_568 = arith.select %gt3A_560, %slice3A_557, %select_n3A_556 : vector<256x128xi1>, vector<256x128xf32>
    %slice3A_569 = vector.extract_strided_slice %dot_general3A_22 {offsets = [512, 2560], sizes = [256, 128], strides = [1, 1]} : vector<1024x4096xf32> to vector<256x128xf32>
    %slice3A_570 = vector.extract_strided_slice %dot_general3A_22 {offsets = [512, 2688], sizes = [256, 128], strides = [1, 1]} : vector<1024x4096xf32> to vector<256x128xf32>
    %max3A_571 = arith.maximumf %slice3A_569, %slice3A_570 : vector<256x128xf32>
    %gt3A_572 = arith.cmpf ogt, %max3A_571, %max3A_561 : vector<256x128xf32>
    %max3A_573 = arith.maximumf %max3A_571, %max3A_561 : vector<256x128xf32>
    %mul3A_574 = arith.constant 16 : i32
    %mul3A_575 = arith.muli %arg0, %mul3A_574 : i32
    %add3A_576 = arith.constant 10 : i32
    %add3A_577 = arith.addi %mul3A_575, %add3A_576 : i32
    %broadcast_in_dim3A_578 = vector.broadcast %add3A_577 : i32 to vector<256x128xi32>
    %select_n3A_579 = arith.select %gt3A_572, %broadcast_in_dim3A_578, %select_n3A_567 : vector<256x128xi1>, vector<256x128xi32>
    %select_n3A_580 = arith.select %gt3A_572, %slice3A_569, %select_n3A_568 : vector<256x128xi1>, vector<256x128xf32>
    %slice3A_581 = vector.extract_strided_slice %dot_general3A_22 {offsets = [512, 2816], sizes = [256, 128], strides = [1, 1]} : vector<1024x4096xf32> to vector<256x128xf32>
    %slice3A_582 = vector.extract_strided_slice %dot_general3A_22 {offsets = [512, 2944], sizes = [256, 128], strides = [1, 1]} : vector<1024x4096xf32> to vector<256x128xf32>
    %max3A_583 = arith.maximumf %slice3A_581, %slice3A_582 : vector<256x128xf32>
    %gt3A_584 = arith.cmpf ogt, %max3A_583, %max3A_573 : vector<256x128xf32>
    %max3A_585 = arith.maximumf %max3A_583, %max3A_573 : vector<256x128xf32>
    %mul3A_586 = arith.constant 16 : i32
    %mul3A_587 = arith.muli %arg0, %mul3A_586 : i32
    %add3A_588 = arith.constant 11 : i32
    %add3A_589 = arith.addi %mul3A_587, %add3A_588 : i32
    %broadcast_in_dim3A_590 = vector.broadcast %add3A_589 : i32 to vector<256x128xi32>
    %select_n3A_591 = arith.select %gt3A_584, %broadcast_in_dim3A_590, %select_n3A_579 : vector<256x128xi1>, vector<256x128xi32>
    %select_n3A_592 = arith.select %gt3A_584, %slice3A_581, %select_n3A_580 : vector<256x128xi1>, vector<256x128xf32>
    %slice3A_593 = vector.extract_strided_slice %dot_general3A_22 {offsets = [512, 3072], sizes = [256, 128], strides = [1, 1]} : vector<1024x4096xf32> to vector<256x128xf32>
    %slice3A_594 = vector.extract_strided_slice %dot_general3A_22 {offsets = [512, 3200], sizes = [256, 128], strides = [1, 1]} : vector<1024x4096xf32> to vector<256x128xf32>
    %max3A_595 = arith.maximumf %slice3A_593, %slice3A_594 : vector<256x128xf32>
    %gt3A_596 = arith.cmpf ogt, %max3A_595, %max3A_585 : vector<256x128xf32>
    %max3A_597 = arith.maximumf %max3A_595, %max3A_585 : vector<256x128xf32>
    %mul3A_598 = arith.constant 16 : i32
    %mul3A_599 = arith.muli %arg0, %mul3A_598 : i32
    %add3A_600 = arith.constant 12 : i32
    %add3A_601 = arith.addi %mul3A_599, %add3A_600 : i32
    %broadcast_in_dim3A_602 = vector.broadcast %add3A_601 : i32 to vector<256x128xi32>
    %select_n3A_603 = arith.select %gt3A_596, %broadcast_in_dim3A_602, %select_n3A_591 : vector<256x128xi1>, vector<256x128xi32>
    %select_n3A_604 = arith.select %gt3A_596, %slice3A_593, %select_n3A_592 : vector<256x128xi1>, vector<256x128xf32>
    %slice3A_605 = vector.extract_strided_slice %dot_general3A_22 {offsets = [512, 3328], sizes = [256, 128], strides = [1, 1]} : vector<1024x4096xf32> to vector<256x128xf32>
    %slice3A_606 = vector.extract_strided_slice %dot_general3A_22 {offsets = [512, 3456], sizes = [256, 128], strides = [1, 1]} : vector<1024x4096xf32> to vector<256x128xf32>
    %max3A_607 = arith.maximumf %slice3A_605, %slice3A_606 : vector<256x128xf32>
    %gt3A_608 = arith.cmpf ogt, %max3A_607, %max3A_597 : vector<256x128xf32>
    %max3A_609 = arith.maximumf %max3A_607, %max3A_597 : vector<256x128xf32>
    %mul3A_610 = arith.constant 16 : i32
    %mul3A_611 = arith.muli %arg0, %mul3A_610 : i32
    %add3A_612 = arith.constant 13 : i32
    %add3A_613 = arith.addi %mul3A_611, %add3A_612 : i32
    %broadcast_in_dim3A_614 = vector.broadcast %add3A_613 : i32 to vector<256x128xi32>
    %select_n3A_615 = arith.select %gt3A_608, %broadcast_in_dim3A_614, %select_n3A_603 : vector<256x128xi1>, vector<256x128xi32>
    %select_n3A_616 = arith.select %gt3A_608, %slice3A_605, %select_n3A_604 : vector<256x128xi1>, vector<256x128xf32>
    %slice3A_617 = vector.extract_strided_slice %dot_general3A_22 {offsets = [512, 3584], sizes = [256, 128], strides = [1, 1]} : vector<1024x4096xf32> to vector<256x128xf32>
    %slice3A_618 = vector.extract_strided_slice %dot_general3A_22 {offsets = [512, 3712], sizes = [256, 128], strides = [1, 1]} : vector<1024x4096xf32> to vector<256x128xf32>
    %max3A_619 = arith.maximumf %slice3A_617, %slice3A_618 : vector<256x128xf32>
    %gt3A_620 = arith.cmpf ogt, %max3A_619, %max3A_609 : vector<256x128xf32>
    %max3A_621 = arith.maximumf %max3A_619, %max3A_609 : vector<256x128xf32>
    %mul3A_622 = arith.constant 16 : i32
    %mul3A_623 = arith.muli %arg0, %mul3A_622 : i32
    %add3A_624 = arith.constant 14 : i32
    %add3A_625 = arith.addi %mul3A_623, %add3A_624 : i32
    %broadcast_in_dim3A_626 = vector.broadcast %add3A_625 : i32 to vector<256x128xi32>
    %select_n3A_627 = arith.select %gt3A_620, %broadcast_in_dim3A_626, %select_n3A_615 : vector<256x128xi1>, vector<256x128xi32>
    %select_n3A_628 = arith.select %gt3A_620, %slice3A_617, %select_n3A_616 : vector<256x128xi1>, vector<256x128xf32>
    %slice3A_629 = vector.extract_strided_slice %dot_general3A_22 {offsets = [512, 3840], sizes = [256, 128], strides = [1, 1]} : vector<1024x4096xf32> to vector<256x128xf32>
    %slice3A_630 = vector.extract_strided_slice %dot_general3A_22 {offsets = [512, 3968], sizes = [256, 128], strides = [1, 1]} : vector<1024x4096xf32> to vector<256x128xf32>
    %max3A_631 = arith.maximumf %slice3A_629, %slice3A_630 : vector<256x128xf32>
    %gt3A_632 = arith.cmpf ogt, %max3A_631, %max3A_621 : vector<256x128xf32>
    %max3A_633 = arith.maximumf %max3A_631, %max3A_621 : vector<256x128xf32>
    %mul3A_634 = arith.constant 16 : i32
    %mul3A_635 = arith.muli %arg0, %mul3A_634 : i32
    %add3A_636 = arith.constant 15 : i32
    %add3A_637 = arith.addi %mul3A_635, %add3A_636 : i32
    %broadcast_in_dim3A_638 = vector.broadcast %add3A_637 : i32 to vector<256x128xi32>
    %select_n3A_639 = arith.select %gt3A_632, %broadcast_in_dim3A_638, %select_n3A_627 : vector<256x128xi1>, vector<256x128xi32>
    %select_n3A_640 = arith.select %gt3A_632, %slice3A_629, %select_n3A_628 : vector<256x128xi1>, vector<256x128xf32>
    %swap3A_641 = arith.constant 512 : index
    %swap3A_642 = arith.constant 0 : index
    %swap3A_643 = vector.load %arg9[%swap3A_641, %swap3A_642] : memref<1024x128xf32, #tpu.memory_space<vmem>>, vector<256x128xf32>
    tpu.vector_store %arg9[%swap3A_641, %swap3A_642], %max3A_633 {strides = array<i32>} : memref<1024x128xf32, #tpu.memory_space<vmem>>, vector<256x128xf32>,
    %swap3A_644 = arith.constant 512 : index
    %swap3A_645 = arith.constant 0 : index
    %swap3A_646 = vector.load %arg10[%swap3A_644, %swap3A_645] : memref<1024x128xi32, #tpu.memory_space<vmem>>, vector<256x128xi32>
    tpu.vector_store %arg10[%swap3A_644, %swap3A_645], %select_n3A_639 {strides = array<i32>} : memref<1024x128xi32, #tpu.memory_space<vmem>>, vector<256x128xi32>,
    %swap3A_647 = arith.constant 512 : index
    %swap3A_648 = arith.constant 0 : index
    %swap3A_649 = vector.load %arg11[%swap3A_647, %swap3A_648] : memref<1024x128xf32, #tpu.memory_space<vmem>>, vector<256x128xf32>
    tpu.vector_store %arg11[%swap3A_647, %swap3A_648], %select_n3A_640 {strides = array<i32>} : memref<1024x128xf32, #tpu.memory_space<vmem>>, vector<256x128xf32>,
    %get3A_650 = arith.constant 768 : index
    %get3A_651 = arith.constant 0 : index
    %get3A_652 = vector.load %arg9[%get3A_650, %get3A_651] : memref<1024x128xf32, #tpu.memory_space<vmem>>, vector<256x128xf32>
    %get3A_653 = arith.constant 768 : index
    %get3A_654 = arith.constant 0 : index
    %get3A_655 = vector.load %arg10[%get3A_653, %get3A_654] : memref<1024x128xi32, #tpu.memory_space<vmem>>, vector<256x128xi32>
    %get3A_656 = arith.constant 768 : index
    %get3A_657 = arith.constant 0 : index
    %get3A_658 = vector.load %arg11[%get3A_656, %get3A_657] : memref<1024x128xf32, #tpu.memory_space<vmem>>, vector<256x128xf32>
    %slice3A_659 = vector.extract_strided_slice %dot_general3A_22 {offsets = [768, 0], sizes = [256, 128], strides = [1, 1]} : vector<1024x4096xf32> to vector<256x128xf32>
    %slice3A_660 = vector.extract_strided_slice %dot_general3A_22 {offsets = [768, 128], sizes = [256, 128], strides = [1, 1]} : vector<1024x4096xf32> to vector<256x128xf32>
    %max3A_661 = arith.maximumf %slice3A_659, %slice3A_660 : vector<256x128xf32>
    %gt3A_662 = arith.cmpf ogt, %max3A_661, %get3A_652 : vector<256x128xf32>
    %max3A_663 = arith.maximumf %max3A_661, %get3A_652 : vector<256x128xf32>
    %mul3A_664 = arith.constant 16 : i32
    %mul3A_665 = arith.muli %arg0, %mul3A_664 : i32
    %add3A_666 = arith.constant 0 : i32
    %add3A_667 = arith.addi %mul3A_665, %add3A_666 : i32
    %broadcast_in_dim3A_668 = vector.broadcast %add3A_667 : i32 to vector<256x128xi32>
    %select_n3A_669 = arith.select %gt3A_662, %broadcast_in_dim3A_668, %get3A_655 : vector<256x128xi1>, vector<256x128xi32>
    %select_n3A_670 = arith.select %gt3A_662, %slice3A_659, %get3A_658 : vector<256x128xi1>, vector<256x128xf32>
    %slice3A_671 = vector.extract_strided_slice %dot_general3A_22 {offsets = [768, 256], sizes = [256, 128], strides = [1, 1]} : vector<1024x4096xf32> to vector<256x128xf32>
    %slice3A_672 = vector.extract_strided_slice %dot_general3A_22 {offsets = [768, 384], sizes = [256, 128], strides = [1, 1]} : vector<1024x4096xf32> to vector<256x128xf32>
    %max3A_673 = arith.maximumf %slice3A_671, %slice3A_672 : vector<256x128xf32>
    %gt3A_674 = arith.cmpf ogt, %max3A_673, %max3A_663 : vector<256x128xf32>
    %max3A_675 = arith.maximumf %max3A_673, %max3A_663 : vector<256x128xf32>
    %mul3A_676 = arith.constant 16 : i32
    %mul3A_677 = arith.muli %arg0, %mul3A_676 : i32
    %add3A_678 = arith.constant 1 : i32
    %add3A_679 = arith.addi %mul3A_677, %add3A_678 : i32
    %broadcast_in_dim3A_680 = vector.broadcast %add3A_679 : i32 to vector<256x128xi32>
    %select_n3A_681 = arith.select %gt3A_674, %broadcast_in_dim3A_680, %select_n3A_669 : vector<256x128xi1>, vector<256x128xi32>
    %select_n3A_682 = arith.select %gt3A_674, %slice3A_671, %select_n3A_670 : vector<256x128xi1>, vector<256x128xf32>
    %slice3A_683 = vector.extract_strided_slice %dot_general3A_22 {offsets = [768, 512], sizes = [256, 128], strides = [1, 1]} : vector<1024x4096xf32> to vector<256x128xf32>
    %slice3A_684 = vector.extract_strided_slice %dot_general3A_22 {offsets = [768, 640], sizes = [256, 128], strides = [1, 1]} : vector<1024x4096xf32> to vector<256x128xf32>
    %max3A_685 = arith.maximumf %slice3A_683, %slice3A_684 : vector<256x128xf32>
    %gt3A_686 = arith.cmpf ogt, %max3A_685, %max3A_675 : vector<256x128xf32>
    %max3A_687 = arith.maximumf %max3A_685, %max3A_675 : vector<256x128xf32>
    %mul3A_688 = arith.constant 16 : i32
    %mul3A_689 = arith.muli %arg0, %mul3A_688 : i32
    %add3A_690 = arith.constant 2 : i32
    %add3A_691 = arith.addi %mul3A_689, %add3A_690 : i32
    %broadcast_in_dim3A_692 = vector.broadcast %add3A_691 : i32 to vector<256x128xi32>
    %select_n3A_693 = arith.select %gt3A_686, %broadcast_in_dim3A_692, %select_n3A_681 : vector<256x128xi1>, vector<256x128xi32>
    %select_n3A_694 = arith.select %gt3A_686, %slice3A_683, %select_n3A_682 : vector<256x128xi1>, vector<256x128xf32>
    %slice3A_695 = vector.extract_strided_slice %dot_general3A_22 {offsets = [768, 768], sizes = [256, 128], strides = [1, 1]} : vector<1024x4096xf32> to vector<256x128xf32>
    %slice3A_696 = vector.extract_strided_slice %dot_general3A_22 {offsets = [768, 896], sizes = [256, 128], strides = [1, 1]} : vector<1024x4096xf32> to vector<256x128xf32>
    %max3A_697 = arith.maximumf %slice3A_695, %slice3A_696 : vector<256x128xf32>
    %gt3A_698 = arith.cmpf ogt, %max3A_697, %max3A_687 : vector<256x128xf32>
    %max3A_699 = arith.maximumf %max3A_697, %max3A_687 : vector<256x128xf32>
    %mul3A_700 = arith.constant 16 : i32
    %mul3A_701 = arith.muli %arg0, %mul3A_700 : i32
    %add3A_702 = arith.constant 3 : i32
    %add3A_703 = arith.addi %mul3A_701, %add3A_702 : i32
    %broadcast_in_dim3A_704 = vector.broadcast %add3A_703 : i32 to vector<256x128xi32>
    %select_n3A_705 = arith.select %gt3A_698, %broadcast_in_dim3A_704, %select_n3A_693 : vector<256x128xi1>, vector<256x128xi32>
    %select_n3A_706 = arith.select %gt3A_698, %slice3A_695, %select_n3A_694 : vector<256x128xi1>, vector<256x128xf32>
    %slice3A_707 = vector.extract_strided_slice %dot_general3A_22 {offsets = [768, 1024], sizes = [256, 128], strides = [1, 1]} : vector<1024x4096xf32> to vector<256x128xf32>
    %slice3A_708 = vector.extract_strided_slice %dot_general3A_22 {offsets = [768, 1152], sizes = [256, 128], strides = [1, 1]} : vector<1024x4096xf32> to vector<256x128xf32>
    %max3A_709 = arith.maximumf %slice3A_707, %slice3A_708 : vector<256x128xf32>
    %gt3A_710 = arith.cmpf ogt, %max3A_709, %max3A_699 : vector<256x128xf32>
    %max3A_711 = arith.maximumf %max3A_709, %max3A_699 : vector<256x128xf32>
    %mul3A_712 = arith.constant 16 : i32
    %mul3A_713 = arith.muli %arg0, %mul3A_712 : i32
    %add3A_714 = arith.constant 4 : i32
    %add3A_715 = arith.addi %mul3A_713, %add3A_714 : i32
    %broadcast_in_dim3A_716 = vector.broadcast %add3A_715 : i32 to vector<256x128xi32>
    %select_n3A_717 = arith.select %gt3A_710, %broadcast_in_dim3A_716, %select_n3A_705 : vector<256x128xi1>, vector<256x128xi32>
    %select_n3A_718 = arith.select %gt3A_710, %slice3A_707, %select_n3A_706 : vector<256x128xi1>, vector<256x128xf32>
    %slice3A_719 = vector.extract_strided_slice %dot_general3A_22 {offsets = [768, 1280], sizes = [256, 128], strides = [1, 1]} : vector<1024x4096xf32> to vector<256x128xf32>
    %slice3A_720 = vector.extract_strided_slice %dot_general3A_22 {offsets = [768, 1408], sizes = [256, 128], strides = [1, 1]} : vector<1024x4096xf32> to vector<256x128xf32>
    %max3A_721 = arith.maximumf %slice3A_719, %slice3A_720 : vector<256x128xf32>
    %gt3A_722 = arith.cmpf ogt, %max3A_721, %max3A_711 : vector<256x128xf32>
    %max3A_723 = arith.maximumf %max3A_721, %max3A_711 : vector<256x128xf32>
    %mul3A_724 = arith.constant 16 : i32
    %mul3A_725 = arith.muli %arg0, %mul3A_724 : i32
    %add3A_726 = arith.constant 5 : i32
    %add3A_727 = arith.addi %mul3A_725, %add3A_726 : i32
    %broadcast_in_dim3A_728 = vector.broadcast %add3A_727 : i32 to vector<256x128xi32>
    %select_n3A_729 = arith.select %gt3A_722, %broadcast_in_dim3A_728, %select_n3A_717 : vector<256x128xi1>, vector<256x128xi32>
    %select_n3A_730 = arith.select %gt3A_722, %slice3A_719, %select_n3A_718 : vector<256x128xi1>, vector<256x128xf32>
    %slice3A_731 = vector.extract_strided_slice %dot_general3A_22 {offsets = [768, 1536], sizes = [256, 128], strides = [1, 1]} : vector<1024x4096xf32> to vector<256x128xf32>
    %slice3A_732 = vector.extract_strided_slice %dot_general3A_22 {offsets = [768, 1664], sizes = [256, 128], strides = [1, 1]} : vector<1024x4096xf32> to vector<256x128xf32>
    %max3A_733 = arith.maximumf %slice3A_731, %slice3A_732 : vector<256x128xf32>
    %gt3A_734 = arith.cmpf ogt, %max3A_733, %max3A_723 : vector<256x128xf32>
    %max3A_735 = arith.maximumf %max3A_733, %max3A_723 : vector<256x128xf32>
    %mul3A_736 = arith.constant 16 : i32
    %mul3A_737 = arith.muli %arg0, %mul3A_736 : i32
    %add3A_738 = arith.constant 6 : i32
    %add3A_739 = arith.addi %mul3A_737, %add3A_738 : i32
    %broadcast_in_dim3A_740 = vector.broadcast %add3A_739 : i32 to vector<256x128xi32>
    %select_n3A_741 = arith.select %gt3A_734, %broadcast_in_dim3A_740, %select_n3A_729 : vector<256x128xi1>, vector<256x128xi32>
    %select_n3A_742 = arith.select %gt3A_734, %slice3A_731, %select_n3A_730 : vector<256x128xi1>, vector<256x128xf32>
    %slice3A_743 = vector.extract_strided_slice %dot_general3A_22 {offsets = [768, 1792], sizes = [256, 128], strides = [1, 1]} : vector<1024x4096xf32> to vector<256x128xf32>
    %slice3A_744 = vector.extract_strided_slice %dot_general3A_22 {offsets = [768, 1920], sizes = [256, 128], strides = [1, 1]} : vector<1024x4096xf32> to vector<256x128xf32>
    %max3A_745 = arith.maximumf %slice3A_743, %slice3A_744 : vector<256x128xf32>
    %gt3A_746 = arith.cmpf ogt, %max3A_745, %max3A_735 : vector<256x128xf32>
    %max3A_747 = arith.maximumf %max3A_745, %max3A_735 : vector<256x128xf32>
    %mul3A_748 = arith.constant 16 : i32
    %mul3A_749 = arith.muli %arg0, %mul3A_748 : i32
    %add3A_750 = arith.constant 7 : i32
    %add3A_751 = arith.addi %mul3A_749, %add3A_750 : i32
    %broadcast_in_dim3A_752 = vector.broadcast %add3A_751 : i32 to vector<256x128xi32>
    %select_n3A_753 = arith.select %gt3A_746, %broadcast_in_dim3A_752, %select_n3A_741 : vector<256x128xi1>, vector<256x128xi32>
    %select_n3A_754 = arith.select %gt3A_746, %slice3A_743, %select_n3A_742 : vector<256x128xi1>, vector<256x128xf32>
    %slice3A_755 = vector.extract_strided_slice %dot_general3A_22 {offsets = [768, 2048], sizes = [256, 128], strides = [1, 1]} : vector<1024x4096xf32> to vector<256x128xf32>
    %slice3A_756 = vector.extract_strided_slice %dot_general3A_22 {offsets = [768, 2176], sizes = [256, 128], strides = [1, 1]} : vector<1024x4096xf32> to vector<256x128xf32>
    %max3A_757 = arith.maximumf %slice3A_755, %slice3A_756 : vector<256x128xf32>
    %gt3A_758 = arith.cmpf ogt, %max3A_757, %max3A_747 : vector<256x128xf32>
    %max3A_759 = arith.maximumf %max3A_757, %max3A_747 : vector<256x128xf32>
    %mul3A_760 = arith.constant 16 : i32
    %mul3A_761 = arith.muli %arg0, %mul3A_760 : i32
    %add3A_762 = arith.constant 8 : i32
    %add3A_763 = arith.addi %mul3A_761, %add3A_762 : i32
    %broadcast_in_dim3A_764 = vector.broadcast %add3A_763 : i32 to vector<256x128xi32>
    %select_n3A_765 = arith.select %gt3A_758, %broadcast_in_dim3A_764, %select_n3A_753 : vector<256x128xi1>, vector<256x128xi32>
    %select_n3A_766 = arith.select %gt3A_758, %slice3A_755, %select_n3A_754 : vector<256x128xi1>, vector<256x128xf32>
    %slice3A_767 = vector.extract_strided_slice %dot_general3A_22 {offsets = [768, 2304], sizes = [256, 128], strides = [1, 1]} : vector<1024x4096xf32> to vector<256x128xf32>
    %slice3A_768 = vector.extract_strided_slice %dot_general3A_22 {offsets = [768, 2432], sizes = [256, 128], strides = [1, 1]} : vector<1024x4096xf32> to vector<256x128xf32>
    %max3A_769 = arith.maximumf %slice3A_767, %slice3A_768 : vector<256x128xf32>
    %gt3A_770 = arith.cmpf ogt, %max3A_769, %max3A_759 : vector<256x128xf32>
    %max3A_771 = arith.maximumf %max3A_769, %max3A_759 : vector<256x128xf32>
    %mul3A_772 = arith.constant 16 : i32
    %mul3A_773 = arith.muli %arg0, %mul3A_772 : i32
    %add3A_774 = arith.constant 9 : i32
    %add3A_775 = arith.addi %mul3A_773, %add3A_774 : i32
    %broadcast_in_dim3A_776 = vector.broadcast %add3A_775 : i32 to vector<256x128xi32>
    %select_n3A_777 = arith.select %gt3A_770, %broadcast_in_dim3A_776, %select_n3A_765 : vector<256x128xi1>, vector<256x128xi32>
    %select_n3A_778 = arith.select %gt3A_770, %slice3A_767, %select_n3A_766 : vector<256x128xi1>, vector<256x128xf32>
    %slice3A_779 = vector.extract_strided_slice %dot_general3A_22 {offsets = [768, 2560], sizes = [256, 128], strides = [1, 1]} : vector<1024x4096xf32> to vector<256x128xf32>
    %slice3A_780 = vector.extract_strided_slice %dot_general3A_22 {offsets = [768, 2688], sizes = [256, 128], strides = [1, 1]} : vector<1024x4096xf32> to vector<256x128xf32>
    %max3A_781 = arith.maximumf %slice3A_779, %slice3A_780 : vector<256x128xf32>
    %gt3A_782 = arith.cmpf ogt, %max3A_781, %max3A_771 : vector<256x128xf32>
    %max3A_783 = arith.maximumf %max3A_781, %max3A_771 : vector<256x128xf32>
    %mul3A_784 = arith.constant 16 : i32
    %mul3A_785 = arith.muli %arg0, %mul3A_784 : i32
    %add3A_786 = arith.constant 10 : i32
    %add3A_787 = arith.addi %mul3A_785, %add3A_786 : i32
    %broadcast_in_dim3A_788 = vector.broadcast %add3A_787 : i32 to vector<256x128xi32>
    %select_n3A_789 = arith.select %gt3A_782, %broadcast_in_dim3A_788, %select_n3A_777 : vector<256x128xi1>, vector<256x128xi32>
    %select_n3A_790 = arith.select %gt3A_782, %slice3A_779, %select_n3A_778 : vector<256x128xi1>, vector<256x128xf32>
    %slice3A_791 = vector.extract_strided_slice %dot_general3A_22 {offsets = [768, 2816], sizes = [256, 128], strides = [1, 1]} : vector<1024x4096xf32> to vector<256x128xf32>
    %slice3A_792 = vector.extract_strided_slice %dot_general3A_22 {offsets = [768, 2944], sizes = [256, 128], strides = [1, 1]} : vector<1024x4096xf32> to vector<256x128xf32>
    %max3A_793 = arith.maximumf %slice3A_791, %slice3A_792 : vector<256x128xf32>
    %gt3A_794 = arith.cmpf ogt, %max3A_793, %max3A_783 : vector<256x128xf32>
    %max3A_795 = arith.maximumf %max3A_793, %max3A_783 : vector<256x128xf32>
    %mul3A_796 = arith.constant 16 : i32
    %mul3A_797 = arith.muli %arg0, %mul3A_796 : i32
    %add3A_798 = arith.constant 11 : i32
    %add3A_799 = arith.addi %mul3A_797, %add3A_798 : i32
    %broadcast_in_dim3A_800 = vector.broadcast %add3A_799 : i32 to vector<256x128xi32>
    %select_n3A_801 = arith.select %gt3A_794, %broadcast_in_dim3A_800, %select_n3A_789 : vector<256x128xi1>, vector<256x128xi32>
    %select_n3A_802 = arith.select %gt3A_794, %slice3A_791, %select_n3A_790 : vector<256x128xi1>, vector<256x128xf32>
    %slice3A_803 = vector.extract_strided_slice %dot_general3A_22 {offsets = [768, 3072], sizes = [256, 128], strides = [1, 1]} : vector<1024x4096xf32> to vector<256x128xf32>
    %slice3A_804 = vector.extract_strided_slice %dot_general3A_22 {offsets = [768, 3200], sizes = [256, 128], strides = [1, 1]} : vector<1024x4096xf32> to vector<256x128xf32>
    %max3A_805 = arith.maximumf %slice3A_803, %slice3A_804 : vector<256x128xf32>
    %gt3A_806 = arith.cmpf ogt, %max3A_805, %max3A_795 : vector<256x128xf32>
    %max3A_807 = arith.maximumf %max3A_805, %max3A_795 : vector<256x128xf32>
    %mul3A_808 = arith.constant 16 : i32
    %mul3A_809 = arith.muli %arg0, %mul3A_808 : i32
    %add3A_810 = arith.constant 12 : i32
    %add3A_811 = arith.addi %mul3A_809, %add3A_810 : i32
    %broadcast_in_dim3A_812 = vector.broadcast %add3A_811 : i32 to vector<256x128xi32>
    %select_n3A_813 = arith.select %gt3A_806, %broadcast_in_dim3A_812, %select_n3A_801 : vector<256x128xi1>, vector<256x128xi32>
    %select_n3A_814 = arith.select %gt3A_806, %slice3A_803, %select_n3A_802 : vector<256x128xi1>, vector<256x128xf32>
    %slice3A_815 = vector.extract_strided_slice %dot_general3A_22 {offsets = [768, 3328], sizes = [256, 128], strides = [1, 1]} : vector<1024x4096xf32> to vector<256x128xf32>
    %slice3A_816 = vector.extract_strided_slice %dot_general3A_22 {offsets = [768, 3456], sizes = [256, 128], strides = [1, 1]} : vector<1024x4096xf32> to vector<256x128xf32>
    %max3A_817 = arith.maximumf %slice3A_815, %slice3A_816 : vector<256x128xf32>
    %gt3A_818 = arith.cmpf ogt, %max3A_817, %max3A_807 : vector<256x128xf32>
    %max3A_819 = arith.maximumf %max3A_817, %max3A_807 : vector<256x128xf32>
    %mul3A_820 = arith.constant 16 : i32
    %mul3A_821 = arith.muli %arg0, %mul3A_820 : i32
    %add3A_822 = arith.constant 13 : i32
    %add3A_823 = arith.addi %mul3A_821, %add3A_822 : i32
    %broadcast_in_dim3A_824 = vector.broadcast %add3A_823 : i32 to vector<256x128xi32>
    %select_n3A_825 = arith.select %gt3A_818, %broadcast_in_dim3A_824, %select_n3A_813 : vector<256x128xi1>, vector<256x128xi32>
    %select_n3A_826 = arith.select %gt3A_818, %slice3A_815, %select_n3A_814 : vector<256x128xi1>, vector<256x128xf32>
    %slice3A_827 = vector.extract_strided_slice %dot_general3A_22 {offsets = [768, 3584], sizes = [256, 128], strides = [1, 1]} : vector<1024x4096xf32> to vector<256x128xf32>
    %slice3A_828 = vector.extract_strided_slice %dot_general3A_22 {offsets = [768, 3712], sizes = [256, 128], strides = [1, 1]} : vector<1024x4096xf32> to vector<256x128xf32>
    %max3A_829 = arith.maximumf %slice3A_827, %slice3A_828 : vector<256x128xf32>
    %gt3A_830 = arith.cmpf ogt, %max3A_829, %max3A_819 : vector<256x128xf32>
    %max3A_831 = arith.maximumf %max3A_829, %max3A_819 : vector<256x128xf32>
    %mul3A_832 = arith.constant 16 : i32
    %mul3A_833 = arith.muli %arg0, %mul3A_832 : i32
    %add3A_834 = arith.constant 14 : i32
    %add3A_835 = arith.addi %mul3A_833, %add3A_834 : i32
    %broadcast_in_dim3A_836 = vector.broadcast %add3A_835 : i32 to vector<256x128xi32>
    %select_n3A_837 = arith.select %gt3A_830, %broadcast_in_dim3A_836, %select_n3A_825 : vector<256x128xi1>, vector<256x128xi32>
    %select_n3A_838 = arith.select %gt3A_830, %slice3A_827, %select_n3A_826 : vector<256x128xi1>, vector<256x128xf32>
    %slice3A_839 = vector.extract_strided_slice %dot_general3A_22 {offsets = [768, 3840], sizes = [256, 128], strides = [1, 1]} : vector<1024x4096xf32> to vector<256x128xf32>
    %slice3A_840 = vector.extract_strided_slice %dot_general3A_22 {offsets = [768, 3968], sizes = [256, 128], strides = [1, 1]} : vector<1024x4096xf32> to vector<256x128xf32>
    %max3A_841 = arith.maximumf %slice3A_839, %slice3A_840 : vector<256x128xf32>
    %gt3A_842 = arith.cmpf ogt, %max3A_841, %max3A_831 : vector<256x128xf32>
    %max3A_843 = arith.maximumf %max3A_841, %max3A_831 : vector<256x128xf32>
    %mul3A_844 = arith.constant 16 : i32
    %mul3A_845 = arith.muli %arg0, %mul3A_844 : i32
    %add3A_846 = arith.constant 15 : i32
    %add3A_847 = arith.addi %mul3A_845, %add3A_846 : i32
    %broadcast_in_dim3A_848 = vector.broadcast %add3A_847 : i32 to vector<256x128xi32>
    %select_n3A_849 = arith.select %gt3A_842, %broadcast_in_dim3A_848, %select_n3A_837 : vector<256x128xi1>, vector<256x128xi32>
    %select_n3A_850 = arith.select %gt3A_842, %slice3A_839, %select_n3A_838 : vector<256x128xi1>, vector<256x128xf32>
    %swap3A_851 = arith.constant 768 : index
    %swap3A_852 = arith.constant 0 : index
    %swap3A_853 = vector.load %arg9[%swap3A_851, %swap3A_852] : memref<1024x128xf32, #tpu.memory_space<vmem>>, vector<256x128xf32>
    tpu.vector_store %arg9[%swap3A_851, %swap3A_852], %max3A_843 {strides = array<i32>} : memref<1024x128xf32, #tpu.memory_space<vmem>>, vector<256x128xf32>,
    %swap3A_854 = arith.constant 768 : index
    %swap3A_855 = arith.constant 0 : index
    %swap3A_856 = vector.load %arg10[%swap3A_854, %swap3A_855] : memref<1024x128xi32, #tpu.memory_space<vmem>>, vector<256x128xi32>
    tpu.vector_store %arg10[%swap3A_854, %swap3A_855], %select_n3A_849 {strides = array<i32>} : memref<1024x128xi32, #tpu.memory_space<vmem>>, vector<256x128xi32>,
    %swap3A_857 = arith.constant 768 : index
    %swap3A_858 = arith.constant 0 : index
    %swap3A_859 = vector.load %arg11[%swap3A_857, %swap3A_858] : memref<1024x128xf32, #tpu.memory_space<vmem>>, vector<256x128xf32>
    tpu.vector_store %arg11[%swap3A_857, %swap3A_858], %select_n3A_850 {strides = array<i32>} : memref<1024x128xf32, #tpu.memory_space<vmem>>, vector<256x128xf32>,
    %get3A_860 = arith.constant 0 : index
    %get3A_861 = arith.constant 0 : index
    %get3A_862 = vector.load %arg12[%get3A_860, %get3A_861] : memref<1x64xf32, #tpu.memory_space<vmem>>, vector<1x64xf32>
    %reduce_sum3A_863 = arith.constant dense<0.000000e+00> : vector<64xf32>
    %reduce_sum3A_864 = vector.multi_reduction <add>, %div3A_15, %reduce_sum3A_863 [0] : vector<4000x64xf32> to vector<64xf32>
    %broadcast_in_dim3A_865 = vector.shape_cast %reduce_sum3A_864 : vector<64xf32> to vector<1x64xf32>
    %add3A_866 = arith.addf %get3A_862, %broadcast_in_dim3A_865 : vector<1x64xf32>
    %swap3A_867 = arith.constant 0 : index
    %swap3A_868 = arith.constant 0 : index
    %swap3A_869 = vector.load %arg12[%swap3A_867, %swap3A_868] : memref<1x64xf32, #tpu.memory_space<vmem>>, vector<1x64xf32>
    tpu.vector_store %arg12[%swap3A_867, %swap3A_868], %add3A_866 {strides = array<i32>} : memref<1x64xf32, #tpu.memory_space<vmem>>, vector<1x64xf32>,
    %get3A_870 = arith.constant 0 : index
    %get3A_871 = arith.constant 0 : index
    %get3A_872 = vector.load %arg13[%get3A_870, %get3A_871] : memref<64x64xf32, #tpu.memory_space<vmem>>, vector<64x64xf32>
    %dot_general3A_873 = arith.constant dense<0.000000e+00> : vector<64x64xf32>
    %dot_general3A_874 = tpu.matmul %div3A_15, %div3A_15, %dot_general3A_873 {dimension_numbers = #tpu.dot_dimension_numbers<[0], [0], [1], [1], [0, 1, 1, 1], [], []>, transpose_lhs_hint = false} : vector<4000x64xf32>, vector<4000x64xf32>, vector<64x64xf32> -> vector<64x64xf32>
    %add3A_875 = arith.addf %get3A_872, %dot_general3A_874 : vector<64x64xf32>
    %swap3A_876 = arith.constant 0 : index
    %swap3A_877 = arith.constant 0 : index
    %swap3A_878 = vector.load %arg13[%swap3A_876, %swap3A_877] : memref<64x64xf32, #tpu.memory_space<vmem>>, vector<64x64xf32>
    tpu.vector_store %arg13[%swap3A_876, %swap3A_877], %add3A_875 {strides = array<i32>} : memref<64x64xf32, #tpu.memory_space<vmem>>, vector<64x64xf32>,
    %eq3A_879 = arith.constant 24 : i32
    %eq3A_880 = arith.cmpi eq, %arg0, %eq3A_879 : i32
    %convert_element_type3A_881 = arith.extui %eq3A_880 : i1 to i32
    %cond3A_882 = arith.constant 0 : i32
    %cond3A_883 = arith.cmpi ne, %convert_element_type3A_881, %cond3A_882 : i32
    scf.if %cond3A_883 {
      %get3A_884 = arith.constant 0 : index
      %get3A_885 = arith.constant 0 : index
      %get3A_886 = vector.load %arg9[%get3A_884, %get3A_885] : memref<1024x128xf32, #tpu.memory_space<vmem>>, vector<1024x128xf32>
      %get3A_887 = arith.constant 0 : index
      %get3A_888 = arith.constant 0 : index
      %get3A_889 = vector.load %arg10[%get3A_887, %get3A_888] : memref<1024x128xi32, #tpu.memory_space<vmem>>, vector<1024x128xi32>
      %get3A_890 = arith.constant 0 : index
      %get3A_891 = arith.constant 0 : index
      %get3A_892 = vector.load %arg11[%get3A_890, %get3A_891] : memref<1024x128xf32, #tpu.memory_space<vmem>>, vector<1024x128xf32>
      %ne3A = arith.cmpf one, %get3A_892, %get3A_886 : vector<1024x128xf32>
      %convert_element_type3A_893 = arith.extui %ne3A : vector<1024x128xi1> to vector<1024x128xi32>
      %iota3A = tpu.iota {dimensions = array<i32: 1>} : vector<1024x128xi32>
      %jit3A = arith.constant 16 : i32
      %div3A_894 = vector.broadcast %jit3A : i32 to vector<1024x128xi32>
      %div3A_895 = arith.divsi %get3A_889, %div3A_894 : vector<1024x128xi32>
      %sign3A = arith.constant 0 : i32
      %sign3A_896 = vector.broadcast %sign3A : i32 to vector<1024x128xi32>
      %sign3A_897 = arith.cmpi sgt, %get3A_889, %sign3A_896 : vector<1024x128xi32>
      %sign3A_898 = arith.extui %sign3A_897 : vector<1024x128xi1> to vector<1024x128xi32>
      %sign3A_899 = arith.constant 0 : i32
      %sign3A_900 = vector.broadcast %sign3A_899 : i32 to vector<1024x128xi32>
      %sign3A_901 = arith.cmpi slt, %get3A_889, %sign3A_900 : vector<1024x128xi32>
      %sign3A_902 = arith.extui %sign3A_901 : vector<1024x128xi1> to vector<1024x128xi32>
      %sign3A_903 = arith.subi %sign3A_898, %sign3A_902 : vector<1024x128xi32>
      %sign3A_904 = arith.constant 0 : i32
      %sign3A_905 = arith.cmpi sgt, %jit3A, %sign3A_904 : i32
      %sign3A_906 = arith.extui %sign3A_905 : i1 to i32
      %sign3A_907 = arith.constant 0 : i32
      %sign3A_908 = arith.cmpi slt, %jit3A, %sign3A_907 : i32
      %sign3A_909 = arith.extui %sign3A_908 : i1 to i32
      %sign3A_910 = arith.subi %sign3A_906, %sign3A_909 : i32
      %ne3A_911 = vector.broadcast %sign3A_910 : i32 to vector<1024x128xi32>
      %ne3A_912 = arith.cmpi ne, %sign3A_903, %ne3A_911 : vector<1024x128xi32>
      %rem3A = vector.broadcast %jit3A : i32 to vector<1024x128xi32>
      %rem3A_913 = arith.remsi %get3A_889, %rem3A : vector<1024x128xi32>
      %ne3A_914 = arith.constant 0 : i32
      %ne3A_915 = vector.broadcast %ne3A_914 : i32 to vector<1024x128xi32>
      %ne3A_916 = arith.cmpi ne, %rem3A_913, %ne3A_915 : vector<1024x128xi32>
      %and3A = arith.andi %ne3A_912, %ne3A_916 : vector<1024x128xi1>
      %sub3A = arith.constant 1 : i32
      %sub3A_917 = vector.broadcast %sub3A : i32 to vector<1024x128xi32>
      %sub3A_918 = arith.subi %div3A_895, %sub3A_917 : vector<1024x128xi32>
      %select_n3A_919 = arith.select %and3A, %sub3A_918, %div3A_895 : vector<1024x128xi1>, vector<1024x128xi32>
      %mul3A_920 = arith.constant 4000 : i32
      %mul3A_921 = vector.broadcast %mul3A_920 : i32 to vector<1024x128xi32>
      %mul3A_922 = arith.muli %select_n3A_919, %mul3A_921 : vector<1024x128xi32>
      %jit3A_923 = arith.constant 16 : i32
      %eq3A_924 = arith.constant 0 : i32
      %eq3A_925 = arith.cmpi eq, %jit3A_923, %eq3A_924 : i32
      %jit3A_926 = arith.constant 1 : i32
      %select_n3A_927 = arith.select %eq3A_925, %jit3A_926, %jit3A_923 : i32
      %rem3A_928 = vector.broadcast %select_n3A_927 : i32 to vector<1024x128xi32>
      %rem3A_929 = arith.remsi %get3A_889, %rem3A_928 : vector<1024x128xi32>
      %ne3A_930 = arith.constant 0 : i32
      %ne3A_931 = vector.broadcast %ne3A_930 : i32 to vector<1024x128xi32>
      %ne3A_932 = arith.cmpi ne, %rem3A_929, %ne3A_931 : vector<1024x128xi32>
      %lt3A = arith.constant 0 : i32
      %lt3A_933 = vector.broadcast %lt3A : i32 to vector<1024x128xi32>
      %lt3A_934 = arith.cmpi slt, %rem3A_929, %lt3A_933 : vector<1024x128xi32>
      %lt3A_935 = arith.constant 0 : i32
      %lt3A_936 = arith.cmpi slt, %select_n3A_927, %lt3A_935 : i32
      %ne3A_937 = vector.broadcast %lt3A_936 : i1 to vector<1024x128xi1>
      %ne3A_938 = vector.broadcast %ne3A_937 : vector<1024x128xi1> to vector<1024x128xi1>
      %ne3A_939 = arith.xori %lt3A_934, %ne3A_938 : vector<1024x128xi1>
      %and3A_940 = arith.andi %ne3A_939, %ne3A_932 : vector<1024x128xi1>
      %add3A_941 = vector.broadcast %select_n3A_927 : i32 to vector<1024x128xi32>
      %add3A_942 = arith.addi %rem3A_929, %add3A_941 : vector<1024x128xi32>
      %select_n3A_943 = arith.select %and3A_940, %add3A_942, %rem3A_929 : vector<1024x128xi1>, vector<1024x128xi32>
      %mul3A_944 = arith.constant 2 : i32
      %mul3A_945 = vector.broadcast %mul3A_944 : i32 to vector<1024x128xi32>
      %mul3A_946 = arith.muli %select_n3A_943, %mul3A_945 : vector<1024x128xi32>
      %add3A_947 = arith.addi %mul3A_946, %convert_element_type3A_893 : vector<1024x128xi32>
      %mul3A_948 = arith.constant 128 : i32
      %mul3A_949 = vector.broadcast %mul3A_948 : i32 to vector<1024x128xi32>
      %mul3A_950 = arith.muli %add3A_947, %mul3A_949 : vector<1024x128xi32>
      %add3A_951 = arith.addi %mul3A_922, %mul3A_950 : vector<1024x128xi32>
      %add3A_952 = arith.addi %add3A_951, %iota3A : vector<1024x128xi32>
      %reduce_max3A = arith.constant dense<0xFF800000> : vector<1024xf32>
      %reduce_max3A_953 = vector.multi_reduction <maximumf>, %get3A_886, %reduce_max3A [1] : vector<1024x128xf32> to vector<1024xf32>
      %broadcast_in_dim3A_954 = vector.shape_cast %reduce_max3A_953 : vector<1024xf32> to vector<1024x1xf32>
      %eq3A_955 = vector.broadcast %broadcast_in_dim3A_954 : vector<1024x1xf32> to vector<1024x128xf32>
      %eq3A_956 = arith.cmpf oeq, %get3A_886, %eq3A_955 : vector<1024x128xf32>
      %jit3A_957 = arith.constant 1073741824 : i32
      %broadcast_in_dim3A_958 = vector.broadcast %jit3A_957 : i32 to vector<1024x128xi32>
      %select_n3A_959 = arith.select %eq3A_956, %add3A_952, %broadcast_in_dim3A_958 : vector<1024x128xi1>, vector<1024x128xi32>
      %reduce_min3A = arith.constant dense<2147483647> : vector<1024xi32>
      %reduce_min3A_960 = vector.multi_reduction <minsi>, %select_n3A_959, %reduce_min3A [1] : vector<1024x128xi32> to vector<1024xi32>
      %broadcast_in_dim3A_961 = vector.shape_cast %reduce_min3A_960 : vector<1024xi32> to vector<1024x1xi32>
      %swap3A_962 = arith.constant 0 : index
      %swap3A_963 = arith.constant 0 : index
      %swap3A_964 = vector.load %arg5[%swap3A_962, %swap3A_963] : memref<1024x1xi32, #tpu.memory_space<vmem>>, vector<1024x1xi32>
      tpu.vector_store %arg5[%swap3A_962, %swap3A_963], %broadcast_in_dim3A_961 {strides = array<i32>} : memref<1024x1xi32, #tpu.memory_space<vmem>>, vector<1024x1xi32>,
      %get3A_965 = arith.constant 0 : index
      %get3A_966 = arith.constant 0 : index
      %get3A_967 = vector.load %arg8[%get3A_965, %get3A_966] : memref<1024x64xf32, #tpu.memory_space<vmem>>, vector<1024x64xf32>
      %get3A_968 = arith.constant 0 : index
      %get3A_969 = arith.constant 0 : index
      %get3A_970 = vector.load %arg12[%get3A_968, %get3A_969] : memref<1x64xf32, #tpu.memory_space<vmem>>, vector<1x64xf32>
      %dot_general3A_971 = arith.constant dense<0.000000e+00> : vector<1024x1xf32>
      %dot_general3A_972 = tpu.matmul %get3A_967, %get3A_970, %dot_general3A_971 {dimension_numbers = #tpu.dot_dimension_numbers<[1], [1], [0], [0], [0, 0, 1, 0], [], []>, transpose_lhs_hint = false} : vector<1024x64xf32>, vector<1x64xf32>, vector<1024x1xf32> -> vector<1024x1xf32>
      %get3A_973 = arith.constant 0 : index
      %get3A_974 = arith.constant 0 : index
      %get3A_975 = vector.load %arg13[%get3A_973, %get3A_974] : memref<64x64xf32, #tpu.memory_space<vmem>>, vector<64x64xf32>
      %dot_general3A_976 = arith.constant dense<0.000000e+00> : vector<1024x64xf32>
      %dot_general3A_977 = tpu.matmul %get3A_967, %get3A_975, %dot_general3A_976 {dimension_numbers = #tpu.dot_dimension_numbers<[1], [0], [0], [1], [0, 0, 1, 1], [], []>, transpose_lhs_hint = false} : vector<1024x64xf32>, vector<64x64xf32>, vector<1024x64xf32> -> vector<1024x64xf32>
      %mul3A_978 = arith.mulf %dot_general3A_977, %get3A_967 : vector<1024x64xf32>
      %reduce_sum3A_979 = arith.constant dense<0.000000e+00> : vector<1024xf32>
      %reduce_sum3A_980 = vector.multi_reduction <add>, %mul3A_978, %reduce_sum3A_979 [1] : vector<1024x64xf32> to vector<1024xf32>
      %broadcast_in_dim3A_981 = vector.shape_cast %reduce_sum3A_980 : vector<1024xf32> to vector<1024x1xf32>
      %mul3A_982 = arith.mulf %dot_general3A_972, %dot_general3A_972 : vector<1024x1xf32>
      %div3A_983 = arith.constant 1.000000e+05 : f32
      %div3A_984 = vector.broadcast %div3A_983 : f32 to vector<1024x1xf32>
      %div3A_985 = arith.divf %mul3A_982, %div3A_984 : vector<1024x1xf32>
      %sub3A_986 = arith.subf %broadcast_in_dim3A_981, %div3A_985 : vector<1024x1xf32>
      %div3A_987 = arith.constant 9.999900e+04 : f32
      %div3A_988 = vector.broadcast %div3A_987 : f32 to vector<1024x1xf32>
      %div3A_989 = arith.divf %sub3A_986, %div3A_988 : vector<1024x1xf32>
      %reduce_sum3A_990 = vector.shape_cast %div3A_989 : vector<1024x1xf32> to vector<1x1024x1xf32>
      %reduce_sum3A_991 = arith.constant dense<0.000000e+00> : vector<1xf32>
      %reduce_sum3A_992 = vector.multi_reduction <add>, %reduce_sum3A_990, %reduce_sum3A_991 [1, 2] : vector<1x1024x1xf32> to vector<1xf32>
      %reduce_sum3A_993 = vector.shape_cast %reduce_sum3A_992 : vector<1xf32> to vector<1x1x1xf32>
      %reduce_sum3A_994 = vector.extract %reduce_sum3A_993[0, 0, 0] : f32 from vector<1x1x1xf32>
      %div3A_995 = arith.constant 1.024000e+03 : f32
      %div3A_996 = arith.divf %reduce_sum3A_994, %div3A_995 : f32
      %broadcast_in_dim3A_997 = vector.broadcast %div3A_996 : f32 to vector<1x1xf32>
      %swap3A_998 = arith.constant 0 : index
      %swap3A_999 = arith.constant 0 : index
      %swap3A_1000 = vector.load %arg6[%swap3A_998, %swap3A_999] : memref<1x1xf32, #tpu.memory_space<vmem>>, vector<1x1xf32>
      tpu.vector_store %arg6[%swap3A_998, %swap3A_999], %broadcast_in_dim3A_997 {strides = array<i32>} : memref<1x1xf32, #tpu.memory_space<vmem>>, vector<1x1xf32>,
    } else {
    }
    return
  }
  func.func @transform_0(%arg0: i32) -> (i32, i32) {
    %c0_i32 = arith.constant 0 : i32
    %c0_i32_0 = arith.constant 0 : i32
    %c0_i32_1 = arith.constant 0 : i32
    return %c0_i32, %c0_i32_0 : i32, i32
  }
  func.func @transform_1(%arg0: i32) -> (i32, i32) {
    %c0_i32 = arith.constant 0 : i32
    %c0_i32_0 = arith.constant 0 : i32
    return %arg0, %c0_i32 : i32, i32
  }
  func.func @transform_2(%arg0: i32) -> (i32, i32) {
    %c0_i32 = arith.constant 0 : i32
    %c0_i32_0 = arith.constant 0 : i32
    return %arg0, %c0_i32 : i32, i32
  }
  func.func @transform_3(%arg0: i32) -> (i32, i32) {
    %add3A = arith.constant 25 : i32
    %add3A_0 = arith.addi %arg0, %add3A : i32
    %c0_i32 = arith.constant 0 : i32
    %c0_i32_1 = arith.constant 0 : i32
    return %add3A_0, %c0_i32 : i32, i32
  }
  func.func @transform_4(%arg0: i32) -> (i32, i32) {
    %c0_i32 = arith.constant 0 : i32
    %c0_i32_0 = arith.constant 0 : i32
    %c0_i32_1 = arith.constant 0 : i32
    return %c0_i32, %c0_i32_0 : i32, i32
  }
  func.func @transform_5(%arg0: i32) -> (i32, i32) {
    %c0_i32 = arith.constant 0 : i32
    %c0_i32_0 = arith.constant 0 : i32
    %c0_i32_1 = arith.constant 0 : i32
    return %c0_i32, %c0_i32_0 : i32, i32
  }
  func.func @transform_6(%arg0: i32) -> (i32, i32) {
    %c0_i32 = arith.constant 0 : i32
    %c0_i32_0 = arith.constant 0 : i32
    return %arg0, %c0_i32 : i32, i32
  }
}

module attributes {stable_mosaic.version = 14 : i64} {
  func.func @_half_select_body(%arg0: memref<1024x128xf32, #tpu.memory_space<vmem>>, %arg1: memref<1024x1xi32, #tpu.memory_space<vmem>>, %arg2: memref<1024x64xf32, #tpu.memory_space<vmem>>) attributes {dimension_semantics = [], scalar_prefetch = 0 : i64, scratch_operands = 0 : i64, tpu.core_type = #tpu.core_type<tc>} {
    %get3A = arith.constant 0 : index
    %get3A_0 = arith.constant 0 : index
    %get3A_1 = vector.load %arg1[%get3A, %get3A_0] : memref<1024x1xi32, #tpu.memory_space<vmem>>, vector<1024x1xi32>
    %ge3A = arith.constant 50000 : i32
    %ge3A_2 = vector.broadcast %ge3A : i32 to vector<1024x1xi32>
    %ge3A_3 = arith.cmpi sge, %get3A_1, %ge3A_2 : vector<1024x1xi32>
    %get3A_4 = arith.constant 0 : index
    %get3A_5 = arith.constant 0 : index
    %get3A_6 = vector.load %arg0[%get3A_4, %get3A_5] : memref<1024x128xf32, #tpu.memory_space<vmem>>, vector<1024x64xf32>
    %get3A_7 = arith.constant 0 : index
    %get3A_8 = arith.constant 64 : index
    %get3A_9 = vector.load %arg0[%get3A_7, %get3A_8] : memref<1024x128xf32, #tpu.memory_space<vmem>>, vector<1024x64xf32>
    %broadcast_in_dim3A = vector.shape_cast %ge3A_3 : vector<1024x1xi1> to vector<1024x1xi1>
    %broadcast_in_dim3A_10 = vector.broadcast %broadcast_in_dim3A : vector<1024x1xi1> to vector<1024x64xi1>
    %select_n3A = arith.select %broadcast_in_dim3A_10, %get3A_9, %get3A_6 : vector<1024x64xi1>, vector<1024x64xf32>
    %swap3A = arith.constant 0 : index
    %swap3A_11 = arith.constant 0 : index
    %swap3A_12 = vector.load %arg2[%swap3A, %swap3A_11] : memref<1024x64xf32, #tpu.memory_space<vmem>>, vector<1024x64xf32>
    tpu.vector_store %arg2[%swap3A, %swap3A_11], %select_n3A {strides = array<i32>} : memref<1024x64xf32, #tpu.memory_space<vmem>>, vector<1024x64xf32>,
    return
  }
}

</mosaic_0001>

<sc_bundles>
// kernel: kernel.5.cloned.1.call-start
scs
__scs_entry_jumppad:
0x0: {  	(pc) =	sbr.rel $0x88, $3  }
0x1: {  	(tag) =	ssettag $0x0;
	lr =	simm.s32 $0x1  }
0x2: {  	[smem:$0x3F9E] =	sst lr;
	_ =	strace $0xD0000000  }
0x3: {  	_ = 	snop  }
0x4: {  	_ = 	snop  }
0x5: {  	_ = 	snop  }
0x6: {  	_ = 	snop  }
0x7: {  	_ = 	snop  }
__scs_overlays_trampoline_lowered:
0x8: {  	[smem:$0x3FAD] =	sst s0  }
0x9: {  	[smem:$0x3FAE] =	sst s1  }
0xa: {  	[smem:$0x3FAF] =	sst s2  }
0xb: {  	[smem:$0x3FB0] =	sst s3  }
0xc: {  	[smem:$0x3FB1] =	sst s4  }
0xd: {  	[smem:$0x3FB2] =	sst s5  }
0xe: {  	[smem:$0x3FB3] =	sst s6  }
0xf: {  	[smem:$0x3FB4] =	sst s7  }
0x10: {  	[smem:$0x3FB5] =	sst s8  }
0x11: {  	[smem:$0x3FB6] =	sst s9;
	s0 =	simm.s32 @!p0 $0x0  }
0x12: {  	s1 =	sld [smem:$0x3F9C];
	s0 =	simm.s32 @p0 $0x1  }
0x13: {  	[smem:$0x3FB7] =	sst s0;
	s0 =	simm.s32 @!p1 $0x0  }
0x14: {  	s2 =	sld [smem:$0x3F9B];
	s0 =	simm.s32 @p1 $0x1  }
0x15: {  	[smem:$0x3FB8] =	sst s0;
	s0 =	simm.s32 @!p2 $0x0  }
0x16: {  	s3 =	sld [smem:$0x3FDB];
	s0 =	simm.s32 @p2 $0x1  }
0x17: {  	s4 =	simm.s32 $0x1BF5;
	[smem:$0x3FBA] =	sst s0  }
0x18: {  	s0 =	sld [smem:$0x3F9D];
	_ =	swait.ge [sflag:s4], $0x0  }
0x19: {  	s7 =	sld [smem:$0x3F9E]  }
0x1a: {  	s8 =	sadd.s32 $0xFFFFE003, lr  }
0x1b: {  	s9 =	sadd.s32 $0xFFFFFEF7, lr;
	s5 =	simm.s32 $0xFFFFFFFF;
	p2 =	slt.u32 s8, $0xFFFFF086  }
0x1c: {  	p1 =	slt.u32 s9, $0xF7A;
	s5 =	simm.s32 @!p2 $0x0  }
0x1d: {  	s5 =	simm.s32 @p1 $0x1;
	p0 =	seq.s32 s7, s2  }
0x1e: {  	s7 =	smul.u32 @!p0 $0xF7A, s2;
	p2 =	seq.s32 @!p0 s5, $0x0  }
0x1f: {  	s9 =	smul.u32 $0xF7A, s1;
	s8 =	simm.s32 @!p0 $0x1BF5;
	p2 =	por !p2, p0  }
0x20: {  	[sflag:s8] =	ssyncset.s32 @!p0 $0xFFFFF086;
	s6 =	sadd.s32 @!p0 s3, s7;
	s7 =	simm.s32 @!p0 $0x108  }
0x21: {  	s3 =	sadd.s32 s3, s9;
	s6 =	sadd.s32 @!p0 $0x88, s6;
	s7 =	simm.s32 @p2 $0x1082  }
0x22: {  	[simem:s7], [sflag:s8] =	dma.local @!p0 [hbm:s6], $0xF7A  }
0x23: {  	s9 =	sor.u32 $0xD0000000, s2;
	s6 =	simm.s32 $0x108;
	_ =	swait.ge @!p0 [sflag:s8], $0x0  }
0x24: {  	s3 =	sadd.s32 $0x88, s3;
	s6 =	simm.s32 @!p1 $0x1082;
	[sflag:s4] =	ssyncset.s32 $0xFFFFF086  }
0x25: {  	[simem:s6], [sflag:s4] =	dma.local [hbm:s3], $0xF7A  }
0x26: {  	[smem:$0x3F9E] =	sst s1;
	(tag) =	ssettag s2;
	_ =	strace s9  }
0x27: {  	s1 =	sld [smem:$0x3FAE]  }
0x28: {  	s2 =	sld [smem:$0x3FAF]  }
0x29: {  	s4 =	sld [smem:$0x3FB1]  }
0x2a: {  	p0 =	seq.s32 s5, $0x0;
	s5 =	sld [smem:$0x3FB2]  }
0x2b: {  	s6 =	sld [smem:$0x3FB3]  }
0x2c: {  	s7 =	sld [smem:$0x3FB4]  }
0x2d: {  	s3 =	simm.s32 $0x108;
	s8 =	sld [smem:$0x3FB5]  }
0x2e: {  	s3 =	simm.s32 @!p0 $0x1082;
	s9 =	sld [smem:$0x3FB6]  }
0x2f: {  	lr =	sadd.s32 s0, s3;
	s0 =	sld [smem:$0x3FAD]  }
0x30: {  	s3 =	sld [smem:$0x3FB0]  }
0x31: {  	[smem:$0x3FB9] =	sst s10  }
0x32: {  	s10 =	sld [smem:$0x3FB7];
	_ =	sdelay $0x3  }
0x33: {  	p0 =	seq.s32 s10, $0x1;
	s10 =	sld [smem:$0x3FB9];
	_ =	sdelay $0x3  }
0x34: {  	[smem:$0x3FB9] =	sst s10  }
0x35: {  	s10 =	sld [smem:$0x3FB8];
	_ =	sdelay $0x3  }
0x36: {  	p1 =	seq.s32 s10, $0x1;
	s10 =	sld [smem:$0x3FB9];
	_ =	sdelay $0x3  }
0x37: {  	[smem:$0x3FB9] =	sst s10  }
0x38: {  	s10 =	sld [smem:$0x3FBA]  }
0x39: {  	_ = 	snop;
	(pc) =	sbr.ind lr, $3  }
0x3a: {  	_ = 	snop  }
0x3b: {  	_ = 	snop  }
0x3c: {  	p2 =	seq.s32 s10, $0x1;
	s10 =	sld [smem:$0x3FB9]  }
0x3d: {  	_ =	shalt  }
0x3e: {  	_ =	shalt  }
0x3f: {  	_ =	shalt  }
0x40: {  	_ =	shalt  }
0x41: {  	_ =	shalt  }
0x42: {  	_ =	shalt  }
0x43: {  	_ =	shalt  }
0x44: {  	_ =	shalt  }
0x45: {  	_ =	shalt  }
0x46: {  	_ =	shalt  }
0x47: {  	_ =	shalt  }
0x48: {  	_ =	shalt  }
0x49: {  	_ =	shalt  }
0x4a: {  	_ =	shalt  }
0x4b: {  	_ =	shalt  }
0x4c: {  	_ =	shalt  }
0x4d: {  	_ =	shalt  }
0x4e: {  	_ =	shalt  }
0x4f: {  	_ =	shalt  }
0x50: {  	_ =	shalt  }
0x51: {  	_ =	shalt  }
0x52: {  	_ =	shalt  }
0x53: {  	_ =	shalt  }
0x54: {  	_ =	shalt  }
0x55: {  	_ =	shalt  }
0x56: {  	_ =	shalt  }
0x57: {  	_ =	shalt  }
0x58: {  	_ =	shalt  }
0x59: {  	_ =	shalt  }
0x5a: {  	_ =	shalt  }
0x5b: {  	_ =	shalt  }
0x5c: {  	_ =	shalt  }
0x5d: {  	_ =	shalt  }
0x5e: {  	_ =	shalt  }
0x5f: {  	_ =	shalt  }
0x60: {  	_ =	shalt  }
0x61: {  	_ =	shalt  }
0x62: {  	_ =	shalt  }
0x63: {  	_ =	shalt  }
0x64: {  	_ =	shalt  }
0x65: {  	_ =	shalt  }
0x66: {  	_ =	shalt  }
0x67: {  	_ =	shalt  }
0x68: {  	_ =	shalt  }
0x69: {  	_ =	shalt  }
0x6a: {  	_ =	shalt  }
0x6b: {  	_ =	shalt  }
0x6c: {  	_ =	shalt  }
0x6d: {  	_ =	shalt  }
0x6e: {  	_ =	shalt  }
0x6f: {  	_ =	shalt  }
0x70: {  	_ =	shalt  }
0x71: {  	_ =	shalt  }
0x72: {  	_ =	shalt  }
0x73: {  	_ =	shalt  }
0x74: {  	_ =	shalt  }
0x75: {  	_ =	shalt  }
0x76: {  	_ =	shalt  }
0x77: {  	_ =	shalt  }
0x78: {  	_ =	shalt  }
0x79: {  	_ =	shalt  }
0x7a: {  	_ =	shalt  }
0x7b: {  	_ =	shalt  }
0x7c: {  	_ =	shalt  }
0x7d: {  	_ =	shalt  }
0x7e: {  	_ =	shalt  }
0x7f: {  	_ =	shalt  }
0x80: {  	_ =	shalt  }
0x81: {  	_ =	shalt  }
0x82: {  	_ =	shalt  }
0x83: {  	_ =	shalt  }
0x84: {  	_ =	shalt  }
0x85: {  	_ =	shalt  }
0x86: {  	_ =	shalt  }
0x87: {  	_ =	shalt  }
.Lfunc_end0:
.L_simem_size_0:
called_computation_lowered:
.L_overlay_start_0:
0x88: {  	s2 =	sld [smem:$0x3FD9]  }
0x89: {  	s3 =	sld [smem:$0x3FFE];
	_ =	sdelay $0x1  }
0x8a: {  	s1 =	srdreg.scid  }
0x8b: {  	s0 =	sand.u32 $0x1, s1  }
0x8c: {  	s14 =	sshll.u32 s0, $0xA;
	s2 =	sadd.s32 s3, s2  }
0x8d: {  	s2 =	sadd.s32 s2, s14  }
0x8e: {  	[smem:$0x3FC5] =	sst s2  }
0x8f: {  	_ = 	snop  }
0x90: {  	s2 =	sld [smem:$0x3FD0];
	_ =	sdelay $0x2  }
0x91: {  	s15 =	simm.s32 $0xA;
	s4 =	simm.s32 $0x10  }
0x92: {  	[smem:s4], [sflag:s15] =	dma.local [hbm:s2], $0x1  }
0x93: {  	_ =	swait.eq [sflag:s15], $0x1  }
0x94: {  	[sflag:s15] =	ssyncset.done $0x0  }
0x95: {  	[sflag:s15] =	ssyncadd.s32 $0xFFFFFFFF  }
0x96: {  	s16 =	sld [smem:$0x10];
	(tm) =	ssettm $0x1  }
0x97: {  	s17 =	sld [smem:$0x3FFB];
	_ =	sdelay $0x3  }
0x98: {  	_ =	strace s17  }
0x99: {  	s3 =	sld [smem:$0x3FFC];
	_ =	sdelay $0x3  }
0x9a: {  	_ =	strace s3  }
0x9b: {  	s3 =	sld [smem:$0x3FFD];
	_ =	sdelay $0x3  }
0x9c: {  	_ =	strace s3  }
0x9d: {  	_ =	strace $0x8FFFFFFF  }
0x9e: {  	s18 =	sld [smem:$0x3FDB];
	_ =	sdelay $0x1  }
0x9f: {  	s19 =	simm.s32 $_scs_section_size  }
0xa0: {  	s5 =	simm.s32 $_size__tile_overlayer_lowered;
	s6 =	simm.s32 $_tile_overlayer_lowered  }
0xa1: {  	s22 =	simm.s32 $0x1BFF;
	s21 =	sshll.u32 s6, $0x1;
	s3 =	sadd.s32 s19, s18  }
0xa2: {  	s7 =	simm.s32 $0x0;
	s20 =	sshll.u32 s5, $0x1;
	s5 =	sadd.s32 s21, s3  }
0xa3: {  	[timem:s7], [sflag:s22] =	dma.local [hbm:s5], s20  }
0xa4: {  	_ =	swait.ge [sflag:s22], s20  }
0xa5: {  	s4 =	ssub.s32 $0x0, s20;
	[sflag:s22] =	ssyncset.done $0x0  }
0xa6: {  	[sflag:s22] =	ssyncadd.s32 s4;
	_ =	sdelay $0x1  }
0xa7: {  	s23 =	simm.s32 $0x1B8B  }
0xa8: {  	_ =	swait.ge [sflag:s23], $0x1  }
0xa9: {  	[sflag:s23] =	ssyncset.done $0x0  }
0xaa: {  	s25 =	simm.s32 $0x1B8E;
	s24 =	sld [smem:$0x3FFE];
	[sflag:s23] =	ssyncadd.s32 $0xFFFFFFFF  }
0xab: {  	s26 =	simm.s32 $execute0_lowered;
	[smem:$0x3FD2] =	sst s25  }
0xac: {  	s5 =	sshll.u32 s26, $0x1;
	_ =	strace $0x80000046;
	[dreg:$0x1] =	wrdreg $0xFFFFFFFF  }
0xad: {  	s28 =	simm.s32 $_size_execute0_lowered;
	s3 =	sadd.s32 s3, s5;
	[dreg:$0x0] =	wrdreg $0x0  }
0xae: {  	s5 =	sshll.u32 s28, $0x1;
	[dreg:$0x2] =	wrdreg s3  }
0xaf: {  	[dreg:$0x3] =	wrdreg s5  }
0xb0: {  	[dreg:$0x4] =	wrdreg $0xC0  }
0xb1: {  	_ =	task [dreg:s7], $0x5FFFF  }
0xb2: {  	[dreg:$0x1] =	wrdreg $0xFFFFFFFF  }
0xb3: {  	[dreg:$0x0] =	wrdreg $0x60  }
0xb4: {  	[dreg:$0x2] =	wrdreg s24  }
0xb5: {  	[dreg:$0x3] =	wrdreg s16  }
0xb6: {  	[dreg:$0x4] =	wrdreg $0x9  }
0xb7: {  	_ =	task.clear_ibuf [dreg:s7], $0x5FFFF;
	_ =	strace $0x90000046  }
0xb8: {  	s29 =	simm.s32 $0x9;
	_ =	strace $0x80000048  }
0xb9: {  	_ =	swait.ge [sflag:s29], $0x1  }
0xba: {  	[sflag:s29] =	ssyncadd.s32 $0xFFFFFFFF  }
0xbb: {  	_ =	strace $0x90000048  }
0xbc: {  	_ =	sfence  }
0xbd: {  	s30 =	sld [smem:$0x0];
	_ =	sdelay $0x2  }
0xbe: {  	s31 =	sshll.u32 s1, $0xD;
	s1 =	sshrl.u32 s1, $0x2  }
0xbf: {  	s3 =	sand.u32 $0x4000, s31;
	s1 =	sadd.s32 s1, s30  }
0xc0: {  	s0 =	sor.u32 s3, s0;
	s1 =	sshll.u32 s1, $0x11  }
0xc1: {  	s0 =	sor.u32 s1, s0  }
0xc2: {  	s0 =	sadd.s32 $0x8F2B, s0  }
0xc3: {  	[sflag:s0] =	ssyncadd.remote.s32 $0x1  }
0xc4: {  	_ =	sfence.sel $0xFFFF  }
0xc5: {  	[dreg:$0x0] =	wrdreg $0xFFFFFFFF;
	(pc) =	sbr.abs _section_cstart, $3  }
0xc6: {  	[dreg:$0x1] =	wrdreg $0xFFFFFFFF  }
0xc7: {  	_ =	task.clear_ibuf [dreg:s7], $0x2FFFF;
	_ =	strace $0x9FFFFFFF  }
0xc8: {  	(tm) =	ssettm $0x7FFFFFFF  }
0xc9: {  	_ =	shalt  }
tec
execute0_lowered:
.L_overlay_start_1:
0x0: {  	(tag) =	ssettag $0x1  }
0x1: {  	s1 =	srdreg.scid  }
0x2: {  	s10 =	rddreg [dreg:$0x0];
	s0 =	stileid.u32;
	s6 =	sand.u32 $0x1, s1  }
0x3: {  	s3 =	rddreg [dreg:$0x1];
	s4 =	sshll.u32 s0, $0x6;
	s5 =	sshll.u32 s6, $0x5  }
0x4: {  	s2 =	simm.s32 $0x0;
	s1 =	rddreg [dreg:$0x2];
	s11 =	sor.u32 s5, s4  }
0x5: {  	[smem:$0x7FF] =	sst s2;
	s4 =	sshrl.u32 s11, $0x3  }
0x6: {  	_ =	strace $0x80000047;
	s4 =	sadd.s32 s3, s4;
	s3 =	simm.s32 $0x2  }
0x7: {  	[tilespmem:s2], [sflag:$0x2] =	stream.linear.gather [hbm4b:s4+s2], $0x20, $0x38;
	[tilespmem:$0x1100] =	vst v63  }
0x8: {  	_ =	swait.ge [sflag:s3], $0x20  }
0x9: {  	[sflag:s3] =	ssyncset.done $0x0  }
0xa: {  	[sflag:s3] =	ssyncadd.s32 $0xFFFFFFE0  }
0xb: {  	v0 =	vld [tilespmem:$0x0]  }
0xc: {  	v1 =	vld [tilespmem:$0x10];
	_ =	sdelay $0x2  }
0xd: {  	s12 =	ssub.s32 $0x2, s6  }
0xe: {  	s7 =	simm.s32 $0x80;
	s13 =	sshrl.u32 s12, $0x1;
	vm0 =	vgt.s32 v0, $0xC34F;
	v2 =	vadd.s32 $0xFFFF3CB0, v0  }
0xf: {  	s8 =	simm.s32 $0x100;
	s11 =	sshll.u32 s11, $0x4;
	s31 =	ssub.s32 s12, s13;
	vm15 =	vgt.s32 v1, $0xC34F;
	v62 =	vadd.s32 $0xFFFF3CB0, v1;
	v0 =	vsel vm0, v2, v0  }
0x10: {  	s5 =	sadd.s32 $0x30F400, s10;
	s10 =	sadd.s32 s11, s10;
	s11 =	smax.u32 s31, $0x1;
	v63 =	vsel vm15, v62, v1;
	[tilespmem:$0x80] =	vst v0  }
0x11: {  	s9 =	simm.s32 $0x1;
	s6 =	simm.s32 $0x20;
	p0 =	sne.s32 s11, $0x1;
	[tilespmem:$0x90] =	vst v63  }
0x12: {  	[tilespmem:s8], [sflag:$0x1] =	stream.indirect.gather [hbm4b:s5+s6], $0x80, s7, s6, $0xb8;
	[tilespmem:$0x1100] =	vst v63  }
.Ltmp0:
0x13: {  	_ =	swait.ge [sflag:s9], $0x1000;
	(pc) =	sbr.rel @!p0 .LBB2_2-.Ltmp0, $4  }
0x14: {  	[sflag:s9] =	ssyncset.done $0x0  }
0x15: {  	s10 =	sadd.s32 $0x2000, s10;
	[sflag:s9] =	ssyncadd.s32 $0xFFFFF000  }
0x16: {  	[hbm4b:s10+s2] =	stream.linear.scatter [tilespmem:s8], [sflag:$0x2], $0x1000, $0x38;
	[tilespmem:$0x1100] =	vst v63  }
0x17: {  	s11 =	sadd.s32 $0xFFFFFFFF, s11;
	_ =	swait.ge [sflag:s3], $0x1000  }
.LBB2_1:
0x18: {  	p0 =	sne.s32 s11, $0x1;
	s11 =	sadd.s32 $0xFFFFFFFF, s11;
	[sflag:s3] =	ssyncset.done $0x0  }
0x19: {  	[sflag:s3] =	ssyncadd.s32 $0xFFFFF000  }
0x1a: {  	[tilespmem:s2], [sflag:$0x2] =	stream.linear.gather [hbm4b:s4+s2], $0x20, $0x38;
	[tilespmem:$0x1100] =	vst v63  }
0x1b: {  	_ =	swait.ge [sflag:s3], $0x20  }
0x1c: {  	[sflag:s3] =	ssyncset.done $0x0  }
0x1d: {  	[sflag:s3] =	ssyncadd.s32 $0xFFFFFFE0  }
0x1e: {  	v0 =	vld [tilespmem:$0x0]  }
0x1f: {  	v1 =	vld [tilespmem:$0x10];
	_ =	sdelay $0x3  }
0x20: {  	vm0 =	vgt.s32 v0, $0xC34F;
	v2 =	vadd.s32 $0xFFFF3CB0, v0  }
0x21: {  	v0 =	vsel vm0, v2, v0;
	vm0 =	vgt.s32 v1, $0xC34F;
	v2 =	vadd.s32 $0xFFFF3CB0, v1  }
0x22: {  	[tilespmem:$0x80] =	vst v0;
	v0 =	vsel vm0, v2, v1  }
0x23: {  	[tilespmem:$0x90] =	vst v0  }
0x24: {  	[tilespmem:s8], [sflag:$0x1] =	stream.indirect.gather [hbm4b:s5+s6], $0x80, s7, s6, $0xb8;
	[tilespmem:$0x1100] =	vst v63  }
.Ltmp1:
0x25: {  	_ =	swait.ge [sflag:s9], $0x1000;
	(pc) =	sbr.rel @p0 .LBB2_1-.Ltmp1, $4  }
0x26: {  	[sflag:s9] =	ssyncset.done $0x0  }
0x27: {  	[sflag:s9] =	ssyncadd.s32 $0xFFFFF000  }
0x28: {  	[hbm4b:s10+s2] =	stream.linear.scatter [tilespmem:s8], [sflag:$0x2], $0x1000, $0x38;
	[tilespmem:$0x1100] =	vst v63  }
0x29: {  	_ =	swait.ge [sflag:s3], $0x1000  }
.LBB2_2:
0x2a: {  	[sflag:s3] =	ssyncset.done $0x0  }
0x2b: {  	[sflag:s3] =	ssyncadd.s32 $0xFFFFF000  }
0x2c: {  	_ =	sfence.sel $0x180000  }
0x2d: {  	[bflag:$0x0] =	sbarrier.arrive $0xFFFF  }
0x2e: {  	p0 =	sne.s32 s0, $0x0;
	_ =	strace $0x90000047  }
0x2f: {  	s0 =	sadd.s32 @!p0 $0x100000, s1;
	[bflag:$0x2] =	sbarrier.arrive $0xFFFF  }
0x30: {  	[sflag:s0] =	ssyncadd.tile.s32 @!p0 $0x1;
	_ =	shalt  }
.Lfunc_end2:
_tile_overlayer_lowered:
.L_overlay_start_2:
0x31: {  	(tag) =	ssettag $0x2  }
0x32: {  	s0 =	rddreg [dreg:$0x0];
	s2 =	stileid.u32  }
0x33: {  	s1 =	rddreg [dreg:$0x1];
	p0 =	sne.s32 s2, $0x0  }
0x34: {  	s3 =	rddreg [dreg:$0x2];
	[bflag:$0x3] =	sbarrier.arrive $0xFFFF;
	s2 =	simm.s32 @!p0 $0x1C02  }
0x35: {  	[timem:s3], [sflag:s2] =	dma.local @!p0 [hbm:s0], s1  }
0x36: {  	s0 =	simm.s32 @!p0 $0x2  }
0x37: {  	_ =	swait.ge @!p0 [sflag:s0], s1  }
0x38: {  	s1 =	ssub.s32 @!p0 $0x0, s1;
	[sflag:s0] =	ssyncset.done @!p0 $0x0  }
0x39: {  	[sflag:s0] =	ssyncadd.s32 @!p0 s1  }
0x3a: {  	[bflag:$0x3] =	sbarrier.arrive $0xFFFF  }
0x3b: {  	_ =	shalt  }

</sc_bundles>
